<compile_context>
chip_gen: v7x
topology: tpu7x:2x2x1
jax: 0.10.2.dev20260603
libtpu: 0.0.44.dev20260713+nightly
codegen_flags: <defaults>
</compile_context>

<pallas_src>
import functools

import jax
import jax.numpy as jnp
import numpy as np
from jax import lax
from jax.experimental import pallas as pl
from jax.experimental.pallas import tpu as pltpu
from jax.experimental.pallas import tpu_sc as plsc

N = 10000
E = 320000
D = 128
NPAD = 10240
EPAD = 327680

_mesh = plsc.VectorSubcoreMesh(core_axis_name="c", subcore_axis_name="s")

DW = 16
EPT32 = EPAD // 32
_ONES = np.ones((128, DW), np.float32)
_ZROW = np.zeros((NPAD // 16 + 1, DW), np.float32)


@functools.partial(
    pl.kernel,
    out_type=jax.ShapeDtypeStruct((2 * NPAD, DW), jnp.float32),
    mesh=_mesh,
    scratch_types=[
        pltpu.VMEM((EPT32 // 128, 128), jnp.int32),
        pltpu.VMEM((128, DW), jnp.float32),
        pltpu.VMEM_SHARED((NPAD + 16, DW), jnp.float32),
    ],
    compiler_params=pltpu.CompilerParams(use_tc_tiling_on_sc=False),
)
def _deg_kernel(col2d_hbm, ones_hbm, zeros_hbm, deg_out, cbig, ones_v, deg_sh):
    c = lax.axis_index("c")
    s = lax.axis_index("s")
    t0 = s * (NPAD // 16)
    pltpu.sync_copy(ones_hbm, ones_v)
    pltpu.sync_copy(zeros_hbm.at[pl.ds(0, NPAD // 16)],
                    deg_sh.at[pl.ds(t0, NPAD // 16)])
    crow = pl.multiple_of(c * (EPAD // 2 // 128) + s * (EPT32 // 128), 8)
    pltpu.sync_copy(col2d_hbm.at[pl.ds(crow, EPT32 // 128)], cbig)
    plsc.subcore_barrier()

    def chunk(j, carry):
        pltpu.sync_copy(ones_v, deg_sh.at[cbig.at[j]], add=True)
        return carry

    lax.fori_loop(0, EPT32 // 128, chunk, 0)
    plsc.subcore_barrier()
    pltpu.sync_copy(deg_sh.at[pl.ds(t0, NPAD // 16)],
                    deg_out.at[pl.ds(c * NPAD + t0, NPAD // 16)])


H = D // 2
EPT = EPAD // 16
Q = 256
NSUB = EPT // Q


@functools.partial(
    pl.kernel,
    out_type=jax.ShapeDtypeStruct((2 * NPAD, H), jnp.float32),
    mesh=_mesh,
    scratch_types=[
        pltpu.VMEM((EPT,), jnp.int32),
        pltpu.VMEM((EPT // 128, 128), jnp.int32),
        pltpu.VMEM((Q, H), jnp.float32),
        pltpu.VMEM((Q, H), jnp.float32),
        pltpu.VMEM_SHARED((NPAD + 16, H), jnp.float32),
        pltpu.SemaphoreType.DMA,
        pltpu.SemaphoreType.DMA,
    ],
    compiler_params=pltpu.CompilerParams(use_tc_tiling_on_sc=False),
)
def _prop_kernel(hs_hbm, rows2_hbm, col2d_hbm, acc_out,
                 rbig, cbig, gbuf_a, gbuf_b, acc_sh, sem_a, sem_b):
    c = lax.axis_index("c")
    s = lax.axis_index("s")
    t0 = s * (NPAD // 16)
    pltpu.sync_copy(hs_hbm.at[pl.ds(c * NPAD + t0, NPAD // 16)],
                    acc_sh.at[pl.ds(t0, NPAD // 16)])
    plsc.subcore_barrier()

    pltpu.sync_copy(rows2_hbm.at[pl.ds(c * EPAD + s * EPT, EPT)], rbig)
    crow = pl.multiple_of(s * (EPT // 128), 8)
    pltpu.sync_copy(col2d_hbm.at[pl.ds(crow, EPT // 128)], cbig)

    bufs = (gbuf_a, gbuf_b)
    gsems = (sem_a, sem_b)

    def gather(q, p):
        pltpu.async_copy(
            hs_hbm.at[rbig.at[pl.ds(q * Q, Q)]], bufs[p], gsems[p])

    def drain_g(p):
        pltpu.make_async_copy(hs_hbm.at[pl.ds(0, Q)], bufs[p], gsems[p]).wait()

    def scatter(q, p):
        for k in range(2):
            pltpu.sync_copy(bufs[p].at[pl.ds(k * 128, 128)],
                            acc_sh.at[cbig.at[2 * q + k]], add=True)

    gather(0, 0)

    def body(i, carry):
        q0 = 2 * i
        gather(q0 + 1, 1)
        drain_g(0)
        scatter(q0, 0)
        gather(q0 + 2, 0)
        drain_g(1)
        scatter(q0 + 1, 1)
        return carry

    lax.fori_loop(0, NSUB // 2 - 1, body, 0)
    gather(NSUB - 1, 1)
    drain_g(0)
    scatter(NSUB - 2, 0)
    drain_g(1)
    scatter(NSUB - 1, 1)
    plsc.subcore_barrier()
    pltpu.sync_copy(acc_sh.at[pl.ds(t0, NPAD // 16)],
                    acc_out.at[pl.ds(c * NPAD + t0, NPAD // 16)])


def _pre_body(x_ref, w_ref, deg_ref, out_ref):
    s = lax.rsqrt(deg_ref[...])[:, None]
    h = jnp.dot(x_ref[...], w_ref[...].T, preferred_element_type=jnp.float32)
    hs = h * s
    out_ref[0] = hs[:, :H]
    out_ref[1] = hs[:, H:]


def _pre_call(x, W1, deg):
    return pl.pallas_call(
        _pre_body,
        grid=(NPAD // 1024,),
        in_specs=[
            pl.BlockSpec((1024, D), lambda i: (i, 0)),
            pl.BlockSpec((D, D), lambda i: (0, 0)),
            pl.BlockSpec((1024,), lambda i: (i,)),
        ],
        out_specs=pl.BlockSpec((2, 1024, H), lambda i: (0, i, 0)),
        out_shape=jax.ShapeDtypeStruct((2, NPAD, H), jnp.float32),
    )(x, W1, deg)


def _mid_body(acc_ref, deg_ref, b_ref, w_ref, out_ref):
    s = lax.rsqrt(deg_ref[...])[:, None]
    x1 = (jnp.concatenate([acc_ref[0], acc_ref[1]], axis=1) * s
          + b_ref[...][None, :])
    xr = jnp.maximum(x1, 0.0)
    h2 = jnp.dot(xr, w_ref[...].T, preferred_element_type=jnp.float32)
    hs2 = h2 * s
    out_ref[0] = hs2[:, :H]
    out_ref[1] = hs2[:, H:]


def _mid_call(acc, deg, b1, W2):
    return pl.pallas_call(
        _mid_body,
        grid=(NPAD // 1024,),
        in_specs=[
            pl.BlockSpec((2, 1024, H), lambda i: (0, i, 0)),
            pl.BlockSpec((1024,), lambda i: (i,)),
            pl.BlockSpec((D,), lambda i: (0,)),
            pl.BlockSpec((D, D), lambda i: (0, 0)),
        ],
        out_specs=pl.BlockSpec((2, 1024, H), lambda i: (0, i, 0)),
        out_shape=jax.ShapeDtypeStruct((2, NPAD, H), jnp.float32),
    )(acc, deg, b1, W2)


def _final_body(acc_ref, deg_ref, b_ref, out_ref):
    s = lax.rsqrt(deg_ref[...])[:, None]
    out_ref[...] = (jnp.concatenate([acc_ref[0], acc_ref[1]], axis=1) * s
                    + b_ref[...][None, :])


def _final_call(acc, deg, b2):
    return pl.pallas_call(
        _final_body,
        grid=(NPAD // 1024,),
        in_specs=[
            pl.BlockSpec((2, 1024, H), lambda i: (0, i, 0)),
            pl.BlockSpec((1024,), lambda i: (i,)),
            pl.BlockSpec((D,), lambda i: (0,)),
        ],
        out_specs=pl.BlockSpec((1024, D), lambda i: (i, 0)),
        out_shape=jax.ShapeDtypeStruct((NPAD, D), jnp.float32),
    )(acc, deg, b2)


def kernel(x, edge_index, W1, b1, W2, b2):
    ei = edge_index.astype(jnp.int32)
    row, col = ei[0], ei[1]
    pad = EPAD - E
    row_p = jnp.concatenate([row, jnp.zeros((pad,), jnp.int32)])
    col_p = jnp.concatenate([col, jnp.full((pad,), N, jnp.int32)])
    col2d = col_p.reshape(EPAD // 128, 128)

    rows2 = jnp.concatenate([row_p, row_p + NPAD])

    deg2 = _deg_kernel(col2d, jnp.asarray(_ONES), jnp.asarray(_ZROW))
    deg = deg2[:NPAD, 0] + deg2[NPAD:, 0] + 1.0

    hs1 = _pre_call(x, W1, deg)
    acc1 = _prop_kernel(hs1.reshape(2 * NPAD, H), rows2, col2d)
    hs2 = _mid_call(acc1.reshape(2, NPAD, H), deg, b1, W2)
    acc2 = _prop_kernel(hs2.reshape(2 * NPAD, H), rows2, col2d)
    return _final_call(acc2.reshape(2, NPAD, H), deg, b2)[:N]

# --- scband reference (transcript-rebuilt; emitter-appended) ---
"""Pipeline reference for scband-gcn-41918880809100 (READ-ONLY COPY).

The authoritative reference and input builder live on the scoring server;
editing this copy changes nothing except your own understanding.
"""

import jax, jax.numpy as jnp
import numpy as np

N_NODES = 10000
N_EDGES = 320000
IN_DIM = 128
HID_DIM = 128
OUT_DIM = 128


def propagate(x, edge_index):
    # add_remaining_self_loops (assume random edges; add self loops for all nodes)
    n = x.shape[0]
    loop = jnp.arange(n, dtype=edge_index.dtype)
    ei = jnp.concatenate([edge_index, jnp.stack([loop, loop], axis=0)], axis=1)
    row, col = ei[0], ei[1]
    deg = jnp.zeros((n,), dtype=x.dtype).at[col].add(1.0)
    deg_inv_sqrt = deg ** -0.5
    edge_weight = deg_inv_sqrt[row] * deg_inv_sqrt[col]
    out = edge_weight[:, None] * x[row]
    # scatter-add to edge_index[-1] (== col)
    return jnp.zeros_like(x).at[col].add(out)


def setup_inputs(seed: int = 0) -> dict:
    key = jax.random.key(seed)
    k1, k2, k3, k4, k5 = jax.random.split(key, 5)
    x = jax.random.normal(k1, (N_NODES, IN_DIM), dtype=jnp.float32)
    edge_index = jax.random.randint(k2, (2, N_EDGES), 0, N_NODES, dtype=jnp.int64)
    # Linear weights (torch Linear: y = x @ W.T), Kaiming-uniform-ish init
    bound1 = 1.0 / np.sqrt(IN_DIM)
    W1 = jax.random.uniform(k3, (HID_DIM, IN_DIM), jnp.float32, -bound1, bound1)
    b1 = jnp.zeros((HID_DIM,), dtype=jnp.float32)
    bound2 = 1.0 / np.sqrt(HID_DIM)
    W2 = jax.random.uniform(k4, (OUT_DIM, HID_DIM), jnp.float32, -bound2, bound2)
    b2 = jnp.zeros((OUT_DIM,), dtype=jnp.float32)
    return {"x": x, "edge_index": edge_index, "W1": W1, "b1": b1, "W2": W2, "b2": b2}


def reference(x, edge_index, W1, b1, W2, b2):
    # conv1
    h = x @ W1.T
    x1 = propagate(h, edge_index) + b1
    # relu
    xr = jax.nn.relu(x1)
    # conv2
    h2 = xr @ W2.T
    x2 = propagate(h2, edge_index) + b2
    return x2

if __name__ == "__main__":
    import jax
    _d = setup_inputs()
    print(jax.jit(kernel)(*tuple(_d.values())))

</pallas_src>

<mosaic_0001>
#map = affine_map<(d0, d1) -> (0, 0)>
#map1 = affine_map<(d0, d1) -> (0)>
module attributes {stable_mosaic.version = 14 : i64} {
  func.func @_prop_kernel(%arg0: i32, %arg1: i32, %arg2: memref<20480x64xf32, #tpu.memory_space<hbm>>, %arg3: memref<655360xi32, #tpu.memory_space<hbm>>, %arg4: memref<2560x128xi32, #tpu.memory_space<hbm>>, %arg5: memref<20480x64xf32, #tpu.memory_space<hbm>>, %arg6: memref<20480xi32, #tpu.memory_space<vmem>>, %arg7: memref<160x128xi32, #tpu.memory_space<vmem>>, %arg8: memref<256x64xf32, #tpu.memory_space<vmem>>, %arg9: memref<256x64xf32, #tpu.memory_space<vmem>>, %arg10: memref<10256x64xf32, #tpu.memory_space<vmem_shared>>, %arg11: memref<!tpu.dma_semaphore, #tpu.memory_space<semaphore_mem>>, %arg12: memref<!tpu.dma_semaphore, #tpu.memory_space<semaphore_mem>>) attributes {dimension_semantics = [#tpu.dimension_semantics<core_parallel>, #tpu.dimension_semantics<subcore_parallel>], iteration_bounds = array<i64: 2, 16>, scalar_prefetch = 0 : i64, scratch_operands = 7 : i64, tpu.core_type = #tpu.core_type<sc_vector_subcore>, window_params = [{transform_indices = #map}, {transform_indices = #map1}, {transform_indices = #map}, {transform_indices = #map}]} {
    %mul3A = arith.constant 640 : i32
    %mul3A_0 = arith.muli %arg1, %mul3A : i32
    %mul3A_1 = arith.constant 10240 : i32
    %mul3A_2 = arith.muli %arg0, %mul3A_1 : i32
    %add3A = arith.addi %mul3A_2, %mul3A_0 : i32
    "tpu.region"() ({
      %run_scoped3A_42 = tpu.sem_alloc : memref<!tpu.dma_semaphore, #tpu.memory_space<semaphore_mem>>
      %dma_start3A_43 = arith.constant 0 : i32
      %dma_start3A_44 = tpu.memref_slice %arg10[%mul3A_0, %dma_start3A_43] : memref<10256x64xf32, #tpu.memory_space<vmem_shared>> -> memref<640x64xf32, #tpu.memory_space<vmem_shared>>
      %dma_start3A_45 = arith.constant 0 : i32
      %dma_start3A_46 = tpu.memref_slice %arg2[%add3A, %dma_start3A_45] : memref<20480x64xf32, #tpu.memory_space<hbm>> -> memref<640x64xf32, #tpu.memory_space<hbm>>
      tpu.enqueue_dma source(%dma_start3A_46 : memref<640x64xf32, #tpu.memory_space<hbm>>) target(%dma_start3A_44 : memref<640x64xf32, #tpu.memory_space<vmem_shared>>) target_semaphore(%run_scoped3A_42 : memref<!tpu.dma_semaphore, #tpu.memory_space<semaphore_mem>>)
      %dma_wait3A_47 = arith.constant 0 : i32
      %dma_wait3A_48 = tpu.memref_slice %arg10[%mul3A_0, %dma_wait3A_47] : memref<10256x64xf32, #tpu.memory_space<vmem_shared>> -> memref<640x64xf32, #tpu.memory_space<vmem_shared>>
      %dma_wait3A_49 = arith.constant 0 : i32
      %dma_wait3A_50 = tpu.memref_slice %arg2[%add3A, %dma_wait3A_49] : memref<20480x64xf32, #tpu.memory_space<hbm>> -> memref<640x64xf32, #tpu.memory_space<hbm>>
      tpu.wait_dma2 semaphore(%run_scoped3A_42 : memref<!tpu.dma_semaphore, #tpu.memory_space<semaphore_mem>>) src(%dma_wait3A_50 : memref<640x64xf32, #tpu.memory_space<hbm>>) dst(%dma_wait3A_48 : memref<640x64xf32, #tpu.memory_space<vmem_shared>>)
      tpu.yield
    }) : () -> ()
    %barrier3A = arith.constant 0 : index
    tpu.barrier barrier_id(%barrier3A)
    %mul3A_3 = arith.constant 327680 : i32
    %mul3A_4 = arith.muli %arg0, %mul3A_3 : i32
    %mul3A_5 = arith.constant 20480 : i32
    %mul3A_6 = arith.muli %arg1, %mul3A_5 : i32
    %add3A_7 = arith.addi %mul3A_4, %mul3A_6 : i32
    "tpu.region"() ({
      %run_scoped3A_42 = tpu.sem_alloc : memref<!tpu.dma_semaphore, #tpu.memory_space<semaphore_mem>>
      %dma_start3A_43 = tpu.memref_slice %arg3[%add3A_7] : memref<655360xi32, #tpu.memory_space<hbm>> -> memref<20480xi32, #tpu.memory_space<hbm>>
      %dma_start3A_44 = tpu.memref_slice %arg3[%add3A_7] : memref<655360xi32, #tpu.memory_space<hbm>> -> memref<20480xi32, #tpu.memory_space<hbm>>
      tpu.enqueue_dma source(%dma_start3A_44 : memref<20480xi32, #tpu.memory_space<hbm>>) target(%arg6 : memref<20480xi32, #tpu.memory_space<vmem>>) target_semaphore(%run_scoped3A_42 : memref<!tpu.dma_semaphore, #tpu.memory_space<semaphore_mem>>)
      %dma_wait3A_45 = tpu.memref_slice %arg3[%add3A_7] : memref<655360xi32, #tpu.memory_space<hbm>> -> memref<20480xi32, #tpu.memory_space<hbm>>
      %dma_wait3A_46 = tpu.memref_slice %arg3[%add3A_7] : memref<655360xi32, #tpu.memory_space<hbm>> -> memref<20480xi32, #tpu.memory_space<hbm>>
      tpu.wait_dma2 semaphore(%run_scoped3A_42 : memref<!tpu.dma_semaphore, #tpu.memory_space<semaphore_mem>>) src(%dma_wait3A_46 : memref<20480xi32, #tpu.memory_space<hbm>>) dst(%arg6 : memref<20480xi32, #tpu.memory_space<vmem>>)
      tpu.yield
    }) : () -> ()
    %mul3A_8 = arith.constant 160 : i32
    %mul3A_9 = arith.muli %arg1, %mul3A_8 : i32
    %multiple_of3A = tpu.assume_multiple %mul3A_9, 8 : i32
    "tpu.region"() ({
      %run_scoped3A_42 = tpu.sem_alloc : memref<!tpu.dma_semaphore, #tpu.memory_space<semaphore_mem>>
      %dma_start3A_43 = arith.constant 0 : i32
      %dma_start3A_44 = tpu.memref_slice %arg4[%multiple_of3A, %dma_start3A_43] : memref<2560x128xi32, #tpu.memory_space<hbm>> -> memref<160x128xi32, #tpu.memory_space<hbm>>
      %dma_start3A_45 = arith.constant 0 : i32
      %dma_start3A_46 = tpu.memref_slice %arg4[%multiple_of3A, %dma_start3A_45] : memref<2560x128xi32, #tpu.memory_space<hbm>> -> memref<160x128xi32, #tpu.memory_space<hbm>>
      tpu.enqueue_dma source(%dma_start3A_46 : memref<160x128xi32, #tpu.memory_space<hbm>>) target(%arg7 : memref<160x128xi32, #tpu.memory_space<vmem>>) target_semaphore(%run_scoped3A_42 : memref<!tpu.dma_semaphore, #tpu.memory_space<semaphore_mem>>)
      %dma_wait3A_47 = arith.constant 0 : i32
      %dma_wait3A_48 = tpu.memref_slice %arg4[%multiple_of3A, %dma_wait3A_47] : memref<2560x128xi32, #tpu.memory_space<hbm>> -> memref<160x128xi32, #tpu.memory_space<hbm>>
      %dma_wait3A_49 = arith.constant 0 : i32
      %dma_wait3A_50 = tpu.memref_slice %arg4[%multiple_of3A, %dma_wait3A_49] : memref<2560x128xi32, #tpu.memory_space<hbm>> -> memref<160x128xi32, #tpu.memory_space<hbm>>
      tpu.wait_dma2 semaphore(%run_scoped3A_42 : memref<!tpu.dma_semaphore, #tpu.memory_space<semaphore_mem>>) src(%dma_wait3A_50 : memref<160x128xi32, #tpu.memory_space<hbm>>) dst(%arg7 : memref<160x128xi32, #tpu.memory_space<vmem>>)
      tpu.yield
    }) : () -> ()
    %dma_start3A = arith.constant 0 : i32
    %dma_start3A_10 = tpu.memref_slice %arg6[%dma_start3A] : memref<20480xi32, #tpu.memory_space<vmem>> -> memref<256xi32, #tpu.memory_space<vmem>>
    %dma_start3A_11 = arith.constant 0 : i32
    %dma_start3A_12 = arith.constant 0 : i32
    %dma_start3A_13 = tpu.memref_slice %arg2[%dma_start3A_11, %dma_start3A_12] : memref<20480x64xf32, #tpu.memory_space<hbm>> -> memref<20480x64xf32, #tpu.memory_space<hbm>>
    tpu.enqueue_indirect_dma source(%dma_start3A_13 : memref<20480x64xf32, #tpu.memory_space<hbm>>) target(%arg8 : memref<256x64xf32, #tpu.memory_space<vmem>>) offsets(%dma_start3A_10 : memref<256xi32, #tpu.memory_space<vmem>>) semaphore(%arg11 : memref<!tpu.dma_semaphore, #tpu.memory_space<semaphore_mem>>)
    %scan3A = arith.constant 0 : i32
    %scan3A_14 = arith.constant 0 : i32
    %scan3A_15 = arith.constant 39 : i32
    %scan3A_16 = arith.addi %scan3A_14, %scan3A_15 : i32
    %scan3A_17 = arith.constant 1 : i32
    scf.for %scan3A_42 = %scan3A_14 to %scan3A_16 step %scan3A_17  : i32 {
      %mul3A_43 = arith.constant 2 : i32
      %mul3A_44 = arith.muli %mul3A_43, %scan3A_42 : i32
      %add3A_45 = arith.constant 1 : i32
      %add3A_46 = arith.addi %mul3A_44, %add3A_45 : i32
      %mul3A_47 = arith.constant 256 : i32
      %mul3A_48 = arith.muli %add3A_46, %mul3A_47 : i32
      %dma_start3A_49 = tpu.memref_slice %arg6[%mul3A_48] : memref<20480xi32, #tpu.memory_space<vmem>> -> memref<256xi32, #tpu.memory_space<vmem>>
      %dma_start3A_50 = arith.constant 0 : i32
      %dma_start3A_51 = arith.constant 0 : i32
      %dma_start3A_52 = tpu.memref_slice %arg2[%dma_start3A_50, %dma_start3A_51] : memref<20480x64xf32, #tpu.memory_space<hbm>> -> memref<20480x64xf32, #tpu.memory_space<hbm>>
      tpu.enqueue_indirect_dma source(%dma_start3A_52 : memref<20480x64xf32, #tpu.memory_space<hbm>>) target(%arg9 : memref<256x64xf32, #tpu.memory_space<vmem>>) offsets(%dma_start3A_49 : memref<256xi32, #tpu.memory_space<vmem>>) semaphore(%arg12 : memref<!tpu.dma_semaphore, #tpu.memory_space<semaphore_mem>>)
      %dma_wait3A_53 = arith.constant 0 : i32
      %dma_wait3A_54 = arith.constant 0 : i32
      %dma_wait3A_55 = tpu.memref_slice %arg2[%dma_wait3A_53, %dma_wait3A_54] : memref<20480x64xf32, #tpu.memory_space<hbm>> -> memref<256x64xf32, #tpu.memory_space<hbm>>
      %dma_wait3A_56 = arith.constant 0 : i32
      %dma_wait3A_57 = arith.constant 0 : i32
      %dma_wait3A_58 = tpu.memref_slice %arg2[%dma_wait3A_56, %dma_wait3A_57] : memref<20480x64xf32, #tpu.memory_space<hbm>> -> memref<256x64xf32, #tpu.memory_space<hbm>>
      tpu.wait_dma2 semaphore(%arg11 : memref<!tpu.dma_semaphore, #tpu.memory_space<semaphore_mem>>) src(%dma_wait3A_58 : memref<256x64xf32, #tpu.memory_space<hbm>>) dst(%arg8 : memref<256x64xf32, #tpu.memory_space<vmem>>)
      %mul3A_59 = arith.constant 2 : i32
      %mul3A_60 = arith.muli %mul3A_59, %mul3A_44 : i32
      %add3A_61 = arith.constant 0 : i32
      %add3A_62 = arith.addi %mul3A_60, %add3A_61 : i32
      "tpu.region"() ({
        %run_scoped3A_91 = tpu.sem_alloc : memref<!tpu.dma_semaphore, #tpu.memory_space<semaphore_mem>>
        %dma_start3A_92 = arith.constant 0 : i32
        %dma_start3A_93 = arith.constant 0 : i32
        %dma_start3A_94 = tpu.memref_slice %arg8[%dma_start3A_92, %dma_start3A_93] : memref<256x64xf32, #tpu.memory_space<vmem>> -> memref<128x64xf32, #tpu.memory_space<vmem>>
        %dma_start3A_95 = arith.constant 0 : i32
        %dma_start3A_96 = tpu.memref_slice %arg7[%add3A_62, %dma_start3A_95] : memref<160x128xi32, #tpu.memory_space<vmem>> -> memref<1x128xi32, #tpu.memory_space<vmem>>
        %dma_start3A_97 = tpu.memref_squeeze %dma_start3A_96 : memref<1x128xi32, #tpu.memory_space<vmem>> -> memref<128xi32, #tpu.memory_space<vmem>>
        %dma_start3A_98 = arith.constant 0 : i32
        %dma_start3A_99 = arith.constant 0 : i32
        %dma_start3A_100 = tpu.memref_slice %arg10[%dma_start3A_98, %dma_start3A_99] : memref<10256x64xf32, #tpu.memory_space<vmem_shared>> -> memref<10256x64xf32, #tpu.memory_space<vmem_shared>>
        tpu.enqueue_indirect_dma source(%dma_start3A_94 : memref<128x64xf32, #tpu.memory_space<vmem>>) target(%dma_start3A_100 : memref<10256x64xf32, #tpu.memory_space<vmem_shared>>) offsets(%dma_start3A_97 : memref<128xi32, #tpu.memory_space<vmem>>) semaphore(%run_scoped3A_91 : memref<!tpu.dma_semaphore, #tpu.memory_space<semaphore_mem>>) {add = true}
        %dma_wait3A_101 = arith.constant 0 : i32
        %dma_wait3A_102 = arith.constant 0 : i32
        %dma_wait3A_103 = tpu.memref_slice %arg8[%dma_wait3A_101, %dma_wait3A_102] : memref<256x64xf32, #tpu.memory_space<vmem>> -> memref<128x64xf32, #tpu.memory_space<vmem>>
        %dma_wait3A_104 = arith.constant 0 : i32
        %dma_wait3A_105 = tpu.memref_slice %arg7[%add3A_62, %dma_wait3A_104] : memref<160x128xi32, #tpu.memory_space<vmem>> -> memref<1x128xi32, #tpu.memory_space<vmem>>
        %dma_wait3A_106 = tpu.memref_squeeze %dma_wait3A_105 : memref<1x128xi32, #tpu.memory_space<vmem>> -> memref<128xi32, #tpu.memory_space<vmem>>
        %dma_wait3A_107 = arith.constant 0 : i32
        %dma_wait3A_108 = arith.constant 0 : i32
        %dma_wait3A_109 = tpu.memref_slice %arg10[%dma_wait3A_107, %dma_wait3A_108] : memref<10256x64xf32, #tpu.memory_space<vmem_shared>> -> memref<10256x64xf32, #tpu.memory_space<vmem_shared>>
        tpu.wait_indirect_dma semaphore(%run_scoped3A_91 : memref<!tpu.dma_semaphore, #tpu.memory_space<semaphore_mem>>) src(%dma_wait3A_103 : memref<128x64xf32, #tpu.memory_space<vmem>>) dst(%dma_wait3A_109 : memref<10256x64xf32, #tpu.memory_space<vmem_shared>>)
        tpu.yield
      }) : () -> ()
      %mul3A_63 = arith.constant 2 : i32
      %mul3A_64 = arith.muli %mul3A_63, %mul3A_44 : i32
      %add3A_65 = arith.constant 1 : i32
      %add3A_66 = arith.addi %mul3A_64, %add3A_65 : i32
      "tpu.region"() ({
        %run_scoped3A_91 = tpu.sem_alloc : memref<!tpu.dma_semaphore, #tpu.memory_space<semaphore_mem>>
        %dma_start3A_92 = arith.constant 128 : i32
        %dma_start3A_93 = arith.constant 0 : i32
        %dma_start3A_94 = tpu.memref_slice %arg8[%dma_start3A_92, %dma_start3A_93] : memref<256x64xf32, #tpu.memory_space<vmem>> -> memref<128x64xf32, #tpu.memory_space<vmem>>
        %dma_start3A_95 = arith.constant 0 : i32
        %dma_start3A_96 = tpu.memref_slice %arg7[%add3A_66, %dma_start3A_95] : memref<160x128xi32, #tpu.memory_space<vmem>> -> memref<1x128xi32, #tpu.memory_space<vmem>>
        %dma_start3A_97 = tpu.memref_squeeze %dma_start3A_96 : memref<1x128xi32, #tpu.memory_space<vmem>> -> memref<128xi32, #tpu.memory_space<vmem>>
        %dma_start3A_98 = arith.constant 0 : i32
        %dma_start3A_99 = arith.constant 0 : i32
        %dma_start3A_100 = tpu.memref_slice %arg10[%dma_start3A_98, %dma_start3A_99] : memref<10256x64xf32, #tpu.memory_space<vmem_shared>> -> memref<10256x64xf32, #tpu.memory_space<vmem_shared>>
        tpu.enqueue_indirect_dma source(%dma_start3A_94 : memref<128x64xf32, #tpu.memory_space<vmem>>) target(%dma_start3A_100 : memref<10256x64xf32, #tpu.memory_space<vmem_shared>>) offsets(%dma_start3A_97 : memref<128xi32, #tpu.memory_space<vmem>>) semaphore(%run_scoped3A_91 : memref<!tpu.dma_semaphore, #tpu.memory_space<semaphore_mem>>) {add = true}
        %dma_wait3A_101 = arith.constant 128 : i32
        %dma_wait3A_102 = arith.constant 0 : i32
        %dma_wait3A_103 = tpu.memref_slice %arg8[%dma_wait3A_101, %dma_wait3A_102] : memref<256x64xf32, #tpu.memory_space<vmem>> -> memref<128x64xf32, #tpu.memory_space<vmem>>
        %dma_wait3A_104 = arith.constant 0 : i32
        %dma_wait3A_105 = tpu.memref_slice %arg7[%add3A_66, %dma_wait3A_104] : memref<160x128xi32, #tpu.memory_space<vmem>> -> memref<1x128xi32, #tpu.memory_space<vmem>>
        %dma_wait3A_106 = tpu.memref_squeeze %dma_wait3A_105 : memref<1x128xi32, #tpu.memory_space<vmem>> -> memref<128xi32, #tpu.memory_space<vmem>>
        %dma_wait3A_107 = arith.constant 0 : i32
        %dma_wait3A_108 = arith.constant 0 : i32
        %dma_wait3A_109 = tpu.memref_slice %arg10[%dma_wait3A_107, %dma_wait3A_108] : memref<10256x64xf32, #tpu.memory_space<vmem_shared>> -> memref<10256x64xf32, #tpu.memory_space<vmem_shared>>
        tpu.wait_indirect_dma semaphore(%run_scoped3A_91 : memref<!tpu.dma_semaphore, #tpu.memory_space<semaphore_mem>>) src(%dma_wait3A_103 : memref<128x64xf32, #tpu.memory_space<vmem>>) dst(%dma_wait3A_109 : memref<10256x64xf32, #tpu.memory_space<vmem_shared>>)
        tpu.yield
      }) : () -> ()
      %add3A_67 = arith.constant 2 : i32
      %add3A_68 = arith.addi %mul3A_44, %add3A_67 : i32
      %mul3A_69 = arith.constant 256 : i32
      %mul3A_70 = arith.muli %add3A_68, %mul3A_69 : i32
      %dma_start3A_71 = tpu.memref_slice %arg6[%mul3A_70] : memref<20480xi32, #tpu.memory_space<vmem>> -> memref<256xi32, #tpu.memory_space<vmem>>
      %dma_start3A_72 = arith.constant 0 : i32
      %dma_start3A_73 = arith.constant 0 : i32
      %dma_start3A_74 = tpu.memref_slice %arg2[%dma_start3A_72, %dma_start3A_73] : memref<20480x64xf32, #tpu.memory_space<hbm>> -> memref<20480x64xf32, #tpu.memory_space<hbm>>
      tpu.enqueue_indirect_dma source(%dma_start3A_74 : memref<20480x64xf32, #tpu.memory_space<hbm>>) target(%arg8 : memref<256x64xf32, #tpu.memory_space<vmem>>) offsets(%dma_start3A_71 : memref<256xi32, #tpu.memory_space<vmem>>) semaphore(%arg11 : memref<!tpu.dma_semaphore, #tpu.memory_space<semaphore_mem>>)
      %dma_wait3A_75 = arith.constant 0 : i32
      %dma_wait3A_76 = arith.constant 0 : i32
      %dma_wait3A_77 = tpu.memref_slice %arg2[%dma_wait3A_75, %dma_wait3A_76] : memref<20480x64xf32, #tpu.memory_space<hbm>> -> memref<256x64xf32, #tpu.memory_space<hbm>>
      %dma_wait3A_78 = arith.constant 0 : i32
      %dma_wait3A_79 = arith.constant 0 : i32
      %dma_wait3A_80 = tpu.memref_slice %arg2[%dma_wait3A_78, %dma_wait3A_79] : memref<20480x64xf32, #tpu.memory_space<hbm>> -> memref<256x64xf32, #tpu.memory_space<hbm>>
      tpu.wait_dma2 semaphore(%arg12 : memref<!tpu.dma_semaphore, #tpu.memory_space<semaphore_mem>>) src(%dma_wait3A_80 : memref<256x64xf32, #tpu.memory_space<hbm>>) dst(%arg9 : memref<256x64xf32, #tpu.memory_space<vmem>>)
      %add3A_81 = arith.constant 1 : i32
      %add3A_82 = arith.addi %mul3A_44, %add3A_81 : i32
      %mul3A_83 = arith.constant 2 : i32
      %mul3A_84 = arith.muli %mul3A_83, %add3A_82 : i32
      %add3A_85 = arith.constant 0 : i32
      %add3A_86 = arith.addi %mul3A_84, %add3A_85 : i32
      "tpu.region"() ({
        %run_scoped3A_91 = tpu.sem_alloc : memref<!tpu.dma_semaphore, #tpu.memory_space<semaphore_mem>>
        %dma_start3A_92 = arith.constant 0 : i32
        %dma_start3A_93 = arith.constant 0 : i32
        %dma_start3A_94 = tpu.memref_slice %arg9[%dma_start3A_92, %dma_start3A_93] : memref<256x64xf32, #tpu.memory_space<vmem>> -> memref<128x64xf32, #tpu.memory_space<vmem>>
        %dma_start3A_95 = arith.constant 0 : i32
        %dma_start3A_96 = tpu.memref_slice %arg7[%add3A_86, %dma_start3A_95] : memref<160x128xi32, #tpu.memory_space<vmem>> -> memref<1x128xi32, #tpu.memory_space<vmem>>
        %dma_start3A_97 = tpu.memref_squeeze %dma_start3A_96 : memref<1x128xi32, #tpu.memory_space<vmem>> -> memref<128xi32, #tpu.memory_space<vmem>>
        %dma_start3A_98 = arith.constant 0 : i32
        %dma_start3A_99 = arith.constant 0 : i32
        %dma_start3A_100 = tpu.memref_slice %arg10[%dma_start3A_98, %dma_start3A_99] : memref<10256x64xf32, #tpu.memory_space<vmem_shared>> -> memref<10256x64xf32, #tpu.memory_space<vmem_shared>>
        tpu.enqueue_indirect_dma source(%dma_start3A_94 : memref<128x64xf32, #tpu.memory_space<vmem>>) target(%dma_start3A_100 : memref<10256x64xf32, #tpu.memory_space<vmem_shared>>) offsets(%dma_start3A_97 : memref<128xi32, #tpu.memory_space<vmem>>) semaphore(%run_scoped3A_91 : memref<!tpu.dma_semaphore, #tpu.memory_space<semaphore_mem>>) {add = true}
        %dma_wait3A_101 = arith.constant 0 : i32
        %dma_wait3A_102 = arith.constant 0 : i32
        %dma_wait3A_103 = tpu.memref_slice %arg9[%dma_wait3A_101, %dma_wait3A_102] : memref<256x64xf32, #tpu.memory_space<vmem>> -> memref<128x64xf32, #tpu.memory_space<vmem>>
        %dma_wait3A_104 = arith.constant 0 : i32
        %dma_wait3A_105 = tpu.memref_slice %arg7[%add3A_86, %dma_wait3A_104] : memref<160x128xi32, #tpu.memory_space<vmem>> -> memref<1x128xi32, #tpu.memory_space<vmem>>
        %dma_wait3A_106 = tpu.memref_squeeze %dma_wait3A_105 : memref<1x128xi32, #tpu.memory_space<vmem>> -> memref<128xi32, #tpu.memory_space<vmem>>
        %dma_wait3A_107 = arith.constant 0 : i32
        %dma_wait3A_108 = arith.constant 0 : i32
        %dma_wait3A_109 = tpu.memref_slice %arg10[%dma_wait3A_107, %dma_wait3A_108] : memref<10256x64xf32, #tpu.memory_space<vmem_shared>> -> memref<10256x64xf32, #tpu.memory_space<vmem_shared>>
        tpu.wait_indirect_dma semaphore(%run_scoped3A_91 : memref<!tpu.dma_semaphore, #tpu.memory_space<semaphore_mem>>) src(%dma_wait3A_103 : memref<128x64xf32, #tpu.memory_space<vmem>>) dst(%dma_wait3A_109 : memref<10256x64xf32, #tpu.memory_space<vmem_shared>>)
        tpu.yield
      }) : () -> ()
      %mul3A_87 = arith.constant 2 : i32
      %mul3A_88 = arith.muli %mul3A_87, %add3A_82 : i32
      %add3A_89 = arith.constant 1 : i32
      %add3A_90 = arith.addi %mul3A_88, %add3A_89 : i32
      "tpu.region"() ({
        %run_scoped3A_91 = tpu.sem_alloc : memref<!tpu.dma_semaphore, #tpu.memory_space<semaphore_mem>>
        %dma_start3A_92 = arith.constant 128 : i32
        %dma_start3A_93 = arith.constant 0 : i32
        %dma_start3A_94 = tpu.memref_slice %arg9[%dma_start3A_92, %dma_start3A_93] : memref<256x64xf32, #tpu.memory_space<vmem>> -> memref<128x64xf32, #tpu.memory_space<vmem>>
        %dma_start3A_95 = arith.constant 0 : i32
        %dma_start3A_96 = tpu.memref_slice %arg7[%add3A_90, %dma_start3A_95] : memref<160x128xi32, #tpu.memory_space<vmem>> -> memref<1x128xi32, #tpu.memory_space<vmem>>
        %dma_start3A_97 = tpu.memref_squeeze %dma_start3A_96 : memref<1x128xi32, #tpu.memory_space<vmem>> -> memref<128xi32, #tpu.memory_space<vmem>>
        %dma_start3A_98 = arith.constant 0 : i32
        %dma_start3A_99 = arith.constant 0 : i32
        %dma_start3A_100 = tpu.memref_slice %arg10[%dma_start3A_98, %dma_start3A_99] : memref<10256x64xf32, #tpu.memory_space<vmem_shared>> -> memref<10256x64xf32, #tpu.memory_space<vmem_shared>>
        tpu.enqueue_indirect_dma source(%dma_start3A_94 : memref<128x64xf32, #tpu.memory_space<vmem>>) target(%dma_start3A_100 : memref<10256x64xf32, #tpu.memory_space<vmem_shared>>) offsets(%dma_start3A_97 : memref<128xi32, #tpu.memory_space<vmem>>) semaphore(%run_scoped3A_91 : memref<!tpu.dma_semaphore, #tpu.memory_space<semaphore_mem>>) {add = true}
        %dma_wait3A_101 = arith.constant 128 : i32
        %dma_wait3A_102 = arith.constant 0 : i32
        %dma_wait3A_103 = tpu.memref_slice %arg9[%dma_wait3A_101, %dma_wait3A_102] : memref<256x64xf32, #tpu.memory_space<vmem>> -> memref<128x64xf32, #tpu.memory_space<vmem>>
        %dma_wait3A_104 = arith.constant 0 : i32
        %dma_wait3A_105 = tpu.memref_slice %arg7[%add3A_90, %dma_wait3A_104] : memref<160x128xi32, #tpu.memory_space<vmem>> -> memref<1x128xi32, #tpu.memory_space<vmem>>
        %dma_wait3A_106 = tpu.memref_squeeze %dma_wait3A_105 : memref<1x128xi32, #tpu.memory_space<vmem>> -> memref<128xi32, #tpu.memory_space<vmem>>
        %dma_wait3A_107 = arith.constant 0 : i32
        %dma_wait3A_108 = arith.constant 0 : i32
        %dma_wait3A_109 = tpu.memref_slice %arg10[%dma_wait3A_107, %dma_wait3A_108] : memref<10256x64xf32, #tpu.memory_space<vmem_shared>> -> memref<10256x64xf32, #tpu.memory_space<vmem_shared>>
        tpu.wait_indirect_dma semaphore(%run_scoped3A_91 : memref<!tpu.dma_semaphore, #tpu.memory_space<semaphore_mem>>) src(%dma_wait3A_103 : memref<128x64xf32, #tpu.memory_space<vmem>>) dst(%dma_wait3A_109 : memref<10256x64xf32, #tpu.memory_space<vmem_shared>>)
        tpu.yield
      }) : () -> ()
    }
    %scan3A_18 = arith.constant 39 : i32
    %dma_start3A_19 = arith.constant 20224 : i32
    %dma_start3A_20 = tpu.memref_slice %arg6[%dma_start3A_19] : memref<20480xi32, #tpu.memory_space<vmem>> -> memref<256xi32, #tpu.memory_space<vmem>>
    %dma_start3A_21 = arith.constant 0 : i32
    %dma_start3A_22 = arith.constant 0 : i32
    %dma_start3A_23 = tpu.memref_slice %arg2[%dma_start3A_21, %dma_start3A_22] : memref<20480x64xf32, #tpu.memory_space<hbm>> -> memref<20480x64xf32, #tpu.memory_space<hbm>>
    tpu.enqueue_indirect_dma source(%dma_start3A_23 : memref<20480x64xf32, #tpu.memory_space<hbm>>) target(%arg9 : memref<256x64xf32, #tpu.memory_space<vmem>>) offsets(%dma_start3A_20 : memref<256xi32, #tpu.memory_space<vmem>>) semaphore(%arg12 : memref<!tpu.dma_semaphore, #tpu.memory_space<semaphore_mem>>)
    %dma_wait3A = arith.constant 0 : i32
    %dma_wait3A_24 = arith.constant 0 : i32
    %dma_wait3A_25 = tpu.memref_slice %arg2[%dma_wait3A, %dma_wait3A_24] : memref<20480x64xf32, #tpu.memory_space<hbm>> -> memref<256x64xf32, #tpu.memory_space<hbm>>
    %dma_wait3A_26 = arith.constant 0 : i32
    %dma_wait3A_27 = arith.constant 0 : i32
    %dma_wait3A_28 = tpu.memref_slice %arg2[%dma_wait3A_26, %dma_wait3A_27] : memref<20480x64xf32, #tpu.memory_space<hbm>> -> memref<256x64xf32, #tpu.memory_space<hbm>>
    tpu.wait_dma2 semaphore(%arg11 : memref<!tpu.dma_semaphore, #tpu.memory_space<semaphore_mem>>) src(%dma_wait3A_28 : memref<256x64xf32, #tpu.memory_space<hbm>>) dst(%arg8 : memref<256x64xf32, #tpu.memory_space<vmem>>)
    %run_scoped3A = arith.constant 156 : i32
    "tpu.region"() ({
      %run_scoped3A_42 = tpu.sem_alloc : memref<!tpu.dma_semaphore, #tpu.memory_space<semaphore_mem>>
      %dma_start3A_43 = arith.constant 0 : i32
      %dma_start3A_44 = arith.constant 0 : i32
      %dma_start3A_45 = tpu.memref_slice %arg8[%dma_start3A_43, %dma_start3A_44] : memref<256x64xf32, #tpu.memory_space<vmem>> -> memref<128x64xf32, #tpu.memory_space<vmem>>
      %dma_start3A_46 = arith.constant 0 : i32
      %dma_start3A_47 = tpu.memref_slice %arg7[%run_scoped3A, %dma_start3A_46] : memref<160x128xi32, #tpu.memory_space<vmem>> -> memref<1x128xi32, #tpu.memory_space<vmem>>
      %dma_start3A_48 = tpu.memref_squeeze %dma_start3A_47 : memref<1x128xi32, #tpu.memory_space<vmem>> -> memref<128xi32, #tpu.memory_space<vmem>>
      %dma_start3A_49 = arith.constant 0 : i32
      %dma_start3A_50 = arith.constant 0 : i32
      %dma_start3A_51 = tpu.memref_slice %arg10[%dma_start3A_49, %dma_start3A_50] : memref<10256x64xf32, #tpu.memory_space<vmem_shared>> -> memref<10256x64xf32, #tpu.memory_space<vmem_shared>>
      tpu.enqueue_indirect_dma source(%dma_start3A_45 : memref<128x64xf32, #tpu.memory_space<vmem>>) target(%dma_start3A_51 : memref<10256x64xf32, #tpu.memory_space<vmem_shared>>) offsets(%dma_start3A_48 : memref<128xi32, #tpu.memory_space<vmem>>) semaphore(%run_scoped3A_42 : memref<!tpu.dma_semaphore, #tpu.memory_space<semaphore_mem>>) {add = true}
      %dma_wait3A_52 = arith.constant 0 : i32
      %dma_wait3A_53 = arith.constant 0 : i32
      %dma_wait3A_54 = tpu.memref_slice %arg8[%dma_wait3A_52, %dma_wait3A_53] : memref<256x64xf32, #tpu.memory_space<vmem>> -> memref<128x64xf32, #tpu.memory_space<vmem>>
      %dma_wait3A_55 = arith.constant 0 : i32
      %dma_wait3A_56 = tpu.memref_slice %arg7[%run_scoped3A, %dma_wait3A_55] : memref<160x128xi32, #tpu.memory_space<vmem>> -> memref<1x128xi32, #tpu.memory_space<vmem>>
      %dma_wait3A_57 = tpu.memref_squeeze %dma_wait3A_56 : memref<1x128xi32, #tpu.memory_space<vmem>> -> memref<128xi32, #tpu.memory_space<vmem>>
      %dma_wait3A_58 = arith.constant 0 : i32
      %dma_wait3A_59 = arith.constant 0 : i32
      %dma_wait3A_60 = tpu.memref_slice %arg10[%dma_wait3A_58, %dma_wait3A_59] : memref<10256x64xf32, #tpu.memory_space<vmem_shared>> -> memref<10256x64xf32, #tpu.memory_space<vmem_shared>>
      tpu.wait_indirect_dma semaphore(%run_scoped3A_42 : memref<!tpu.dma_semaphore, #tpu.memory_space<semaphore_mem>>) src(%dma_wait3A_54 : memref<128x64xf32, #tpu.memory_space<vmem>>) dst(%dma_wait3A_60 : memref<10256x64xf32, #tpu.memory_space<vmem_shared>>)
      tpu.yield
    }) : () -> ()
    %run_scoped3A_29 = arith.constant 157 : i32
    "tpu.region"() ({
      %run_scoped3A_42 = tpu.sem_alloc : memref<!tpu.dma_semaphore, #tpu.memory_space<semaphore_mem>>
      %dma_start3A_43 = arith.constant 128 : i32
      %dma_start3A_44 = arith.constant 0 : i32
      %dma_start3A_45 = tpu.memref_slice %arg8[%dma_start3A_43, %dma_start3A_44] : memref<256x64xf32, #tpu.memory_space<vmem>> -> memref<128x64xf32, #tpu.memory_space<vmem>>
      %dma_start3A_46 = arith.constant 0 : i32
      %dma_start3A_47 = tpu.memref_slice %arg7[%run_scoped3A_29, %dma_start3A_46] : memref<160x128xi32, #tpu.memory_space<vmem>> -> memref<1x128xi32, #tpu.memory_space<vmem>>
      %dma_start3A_48 = tpu.memref_squeeze %dma_start3A_47 : memref<1x128xi32, #tpu.memory_space<vmem>> -> memref<128xi32, #tpu.memory_space<vmem>>
      %dma_start3A_49 = arith.constant 0 : i32
      %dma_start3A_50 = arith.constant 0 : i32
      %dma_start3A_51 = tpu.memref_slice %arg10[%dma_start3A_49, %dma_start3A_50] : memref<10256x64xf32, #tpu.memory_space<vmem_shared>> -> memref<10256x64xf32, #tpu.memory_space<vmem_shared>>
      tpu.enqueue_indirect_dma source(%dma_start3A_45 : memref<128x64xf32, #tpu.memory_space<vmem>>) target(%dma_start3A_51 : memref<10256x64xf32, #tpu.memory_space<vmem_shared>>) offsets(%dma_start3A_48 : memref<128xi32, #tpu.memory_space<vmem>>) semaphore(%run_scoped3A_42 : memref<!tpu.dma_semaphore, #tpu.memory_space<semaphore_mem>>) {add = true}
      %dma_wait3A_52 = arith.constant 128 : i32
      %dma_wait3A_53 = arith.constant 0 : i32
      %dma_wait3A_54 = tpu.memref_slice %arg8[%dma_wait3A_52, %dma_wait3A_53] : memref<256x64xf32, #tpu.memory_space<vmem>> -> memref<128x64xf32, #tpu.memory_space<vmem>>
      %dma_wait3A_55 = arith.constant 0 : i32
      %dma_wait3A_56 = tpu.memref_slice %arg7[%run_scoped3A_29, %dma_wait3A_55] : memref<160x128xi32, #tpu.memory_space<vmem>> -> memref<1x128xi32, #tpu.memory_space<vmem>>
      %dma_wait3A_57 = tpu.memref_squeeze %dma_wait3A_56 : memref<1x128xi32, #tpu.memory_space<vmem>> -> memref<128xi32, #tpu.memory_space<vmem>>
      %dma_wait3A_58 = arith.constant 0 : i32
      %dma_wait3A_59 = arith.constant 0 : i32
      %dma_wait3A_60 = tpu.memref_slice %arg10[%dma_wait3A_58, %dma_wait3A_59] : memref<10256x64xf32, #tpu.memory_space<vmem_shared>> -> memref<10256x64xf32, #tpu.memory_space<vmem_shared>>
      tpu.wait_indirect_dma semaphore(%run_scoped3A_42 : memref<!tpu.dma_semaphore, #tpu.memory_space<semaphore_mem>>) src(%dma_wait3A_54 : memref<128x64xf32, #tpu.memory_space<vmem>>) dst(%dma_wait3A_60 : memref<10256x64xf32, #tpu.memory_space<vmem_shared>>)
      tpu.yield
    }) : () -> ()
    %dma_wait3A_30 = arith.constant 0 : i32
    %dma_wait3A_31 = arith.constant 0 : i32
    %dma_wait3A_32 = tpu.memref_slice %arg2[%dma_wait3A_30, %dma_wait3A_31] : memref<20480x64xf32, #tpu.memory_space<hbm>> -> memref<256x64xf32, #tpu.memory_space<hbm>>
    %dma_wait3A_33 = arith.constant 0 : i32
    %dma_wait3A_34 = arith.constant 0 : i32
    %dma_wait3A_35 = tpu.memref_slice %arg2[%dma_wait3A_33, %dma_wait3A_34] : memref<20480x64xf32, #tpu.memory_space<hbm>> -> memref<256x64xf32, #tpu.memory_space<hbm>>
    tpu.wait_dma2 semaphore(%arg12 : memref<!tpu.dma_semaphore, #tpu.memory_space<semaphore_mem>>) src(%dma_wait3A_35 : memref<256x64xf32, #tpu.memory_space<hbm>>) dst(%arg9 : memref<256x64xf32, #tpu.memory_space<vmem>>)
    %run_scoped3A_36 = arith.constant 158 : i32
    "tpu.region"() ({
      %run_scoped3A_42 = tpu.sem_alloc : memref<!tpu.dma_semaphore, #tpu.memory_space<semaphore_mem>>
      %dma_start3A_43 = arith.constant 0 : i32
      %dma_start3A_44 = arith.constant 0 : i32
      %dma_start3A_45 = tpu.memref_slice %arg9[%dma_start3A_43, %dma_start3A_44] : memref<256x64xf32, #tpu.memory_space<vmem>> -> memref<128x64xf32, #tpu.memory_space<vmem>>
      %dma_start3A_46 = arith.constant 0 : i32
      %dma_start3A_47 = tpu.memref_slice %arg7[%run_scoped3A_36, %dma_start3A_46] : memref<160x128xi32, #tpu.memory_space<vmem>> -> memref<1x128xi32, #tpu.memory_space<vmem>>
      %dma_start3A_48 = tpu.memref_squeeze %dma_start3A_47 : memref<1x128xi32, #tpu.memory_space<vmem>> -> memref<128xi32, #tpu.memory_space<vmem>>
      %dma_start3A_49 = arith.constant 0 : i32
      %dma_start3A_50 = arith.constant 0 : i32
      %dma_start3A_51 = tpu.memref_slice %arg10[%dma_start3A_49, %dma_start3A_50] : memref<10256x64xf32, #tpu.memory_space<vmem_shared>> -> memref<10256x64xf32, #tpu.memory_space<vmem_shared>>
      tpu.enqueue_indirect_dma source(%dma_start3A_45 : memref<128x64xf32, #tpu.memory_space<vmem>>) target(%dma_start3A_51 : memref<10256x64xf32, #tpu.memory_space<vmem_shared>>) offsets(%dma_start3A_48 : memref<128xi32, #tpu.memory_space<vmem>>) semaphore(%run_scoped3A_42 : memref<!tpu.dma_semaphore, #tpu.memory_space<semaphore_mem>>) {add = true}
      %dma_wait3A_52 = arith.constant 0 : i32
      %dma_wait3A_53 = arith.constant 0 : i32
      %dma_wait3A_54 = tpu.memref_slice %arg9[%dma_wait3A_52, %dma_wait3A_53] : memref<256x64xf32, #tpu.memory_space<vmem>> -> memref<128x64xf32, #tpu.memory_space<vmem>>
      %dma_wait3A_55 = arith.constant 0 : i32
      %dma_wait3A_56 = tpu.memref_slice %arg7[%run_scoped3A_36, %dma_wait3A_55] : memref<160x128xi32, #tpu.memory_space<vmem>> -> memref<1x128xi32, #tpu.memory_space<vmem>>
      %dma_wait3A_57 = tpu.memref_squeeze %dma_wait3A_56 : memref<1x128xi32, #tpu.memory_space<vmem>> -> memref<128xi32, #tpu.memory_space<vmem>>
      %dma_wait3A_58 = arith.constant 0 : i32
      %dma_wait3A_59 = arith.constant 0 : i32
      %dma_wait3A_60 = tpu.memref_slice %arg10[%dma_wait3A_58, %dma_wait3A_59] : memref<10256x64xf32, #tpu.memory_space<vmem_shared>> -> memref<10256x64xf32, #tpu.memory_space<vmem_shared>>
      tpu.wait_indirect_dma semaphore(%run_scoped3A_42 : memref<!tpu.dma_semaphore, #tpu.memory_space<semaphore_mem>>) src(%dma_wait3A_54 : memref<128x64xf32, #tpu.memory_space<vmem>>) dst(%dma_wait3A_60 : memref<10256x64xf32, #tpu.memory_space<vmem_shared>>)
      tpu.yield
    }) : () -> ()
    %run_scoped3A_37 = arith.constant 159 : i32
    "tpu.region"() ({
      %run_scoped3A_42 = tpu.sem_alloc : memref<!tpu.dma_semaphore, #tpu.memory_space<semaphore_mem>>
      %dma_start3A_43 = arith.constant 128 : i32
      %dma_start3A_44 = arith.constant 0 : i32
      %dma_start3A_45 = tpu.memref_slice %arg9[%dma_start3A_43, %dma_start3A_44] : memref<256x64xf32, #tpu.memory_space<vmem>> -> memref<128x64xf32, #tpu.memory_space<vmem>>
      %dma_start3A_46 = arith.constant 0 : i32
      %dma_start3A_47 = tpu.memref_slice %arg7[%run_scoped3A_37, %dma_start3A_46] : memref<160x128xi32, #tpu.memory_space<vmem>> -> memref<1x128xi32, #tpu.memory_space<vmem>>
      %dma_start3A_48 = tpu.memref_squeeze %dma_start3A_47 : memref<1x128xi32, #tpu.memory_space<vmem>> -> memref<128xi32, #tpu.memory_space<vmem>>
      %dma_start3A_49 = arith.constant 0 : i32
      %dma_start3A_50 = arith.constant 0 : i32
      %dma_start3A_51 = tpu.memref_slice %arg10[%dma_start3A_49, %dma_start3A_50] : memref<10256x64xf32, #tpu.memory_space<vmem_shared>> -> memref<10256x64xf32, #tpu.memory_space<vmem_shared>>
      tpu.enqueue_indirect_dma source(%dma_start3A_45 : memref<128x64xf32, #tpu.memory_space<vmem>>) target(%dma_start3A_51 : memref<10256x64xf32, #tpu.memory_space<vmem_shared>>) offsets(%dma_start3A_48 : memref<128xi32, #tpu.memory_space<vmem>>) semaphore(%run_scoped3A_42 : memref<!tpu.dma_semaphore, #tpu.memory_space<semaphore_mem>>) {add = true}
      %dma_wait3A_52 = arith.constant 128 : i32
      %dma_wait3A_53 = arith.constant 0 : i32
      %dma_wait3A_54 = tpu.memref_slice %arg9[%dma_wait3A_52, %dma_wait3A_53] : memref<256x64xf32, #tpu.memory_space<vmem>> -> memref<128x64xf32, #tpu.memory_space<vmem>>
      %dma_wait3A_55 = arith.constant 0 : i32
      %dma_wait3A_56 = tpu.memref_slice %arg7[%run_scoped3A_37, %dma_wait3A_55] : memref<160x128xi32, #tpu.memory_space<vmem>> -> memref<1x128xi32, #tpu.memory_space<vmem>>
      %dma_wait3A_57 = tpu.memref_squeeze %dma_wait3A_56 : memref<1x128xi32, #tpu.memory_space<vmem>> -> memref<128xi32, #tpu.memory_space<vmem>>
      %dma_wait3A_58 = arith.constant 0 : i32
      %dma_wait3A_59 = arith.constant 0 : i32
      %dma_wait3A_60 = tpu.memref_slice %arg10[%dma_wait3A_58, %dma_wait3A_59] : memref<10256x64xf32, #tpu.memory_space<vmem_shared>> -> memref<10256x64xf32, #tpu.memory_space<vmem_shared>>
      tpu.wait_indirect_dma semaphore(%run_scoped3A_42 : memref<!tpu.dma_semaphore, #tpu.memory_space<semaphore_mem>>) src(%dma_wait3A_54 : memref<128x64xf32, #tpu.memory_space<vmem>>) dst(%dma_wait3A_60 : memref<10256x64xf32, #tpu.memory_space<vmem_shared>>)
      tpu.yield
    }) : () -> ()
    %barrier3A_38 = arith.constant 0 : index
    tpu.barrier barrier_id(%barrier3A_38)
    %mul3A_39 = arith.constant 10240 : i32
    %mul3A_40 = arith.muli %arg0, %mul3A_39 : i32
    %add3A_41 = arith.addi %mul3A_40, %mul3A_0 : i32
    "tpu.region"() ({
      %run_scoped3A_42 = tpu.sem_alloc : memref<!tpu.dma_semaphore, #tpu.memory_space<semaphore_mem>>
      %dma_start3A_43 = arith.constant 0 : i32
      %dma_start3A_44 = tpu.memref_slice %arg5[%add3A_41, %dma_start3A_43] : memref<20480x64xf32, #tpu.memory_space<hbm>> -> memref<640x64xf32, #tpu.memory_space<hbm>>
      %dma_start3A_45 = arith.constant 0 : i32
      %dma_start3A_46 = tpu.memref_slice %arg10[%mul3A_0, %dma_start3A_45] : memref<10256x64xf32, #tpu.memory_space<vmem_shared>> -> memref<640x64xf32, #tpu.memory_space<vmem_shared>>
      tpu.enqueue_dma source(%dma_start3A_46 : memref<640x64xf32, #tpu.memory_space<vmem_shared>>) target(%dma_start3A_44 : memref<640x64xf32, #tpu.memory_space<hbm>>) target_semaphore(%run_scoped3A_42 : memref<!tpu.dma_semaphore, #tpu.memory_space<semaphore_mem>>)
      %dma_wait3A_47 = arith.constant 0 : i32
      %dma_wait3A_48 = tpu.memref_slice %arg5[%add3A_41, %dma_wait3A_47] : memref<20480x64xf32, #tpu.memory_space<hbm>> -> memref<640x64xf32, #tpu.memory_space<hbm>>
      %dma_wait3A_49 = arith.constant 0 : i32
      %dma_wait3A_50 = tpu.memref_slice %arg10[%mul3A_0, %dma_wait3A_49] : memref<10256x64xf32, #tpu.memory_space<vmem_shared>> -> memref<640x64xf32, #tpu.memory_space<vmem_shared>>
      tpu.wait_dma2 semaphore(%run_scoped3A_42 : memref<!tpu.dma_semaphore, #tpu.memory_space<semaphore_mem>>) src(%dma_wait3A_50 : memref<640x64xf32, #tpu.memory_space<vmem_shared>>) dst(%dma_wait3A_48 : memref<640x64xf32, #tpu.memory_space<hbm>>)
      tpu.yield
    }) : () -> ()
    return
  }
}

#map = affine_map<(d0, d1) -> (0, 0)>
module attributes {stable_mosaic.version = 14 : i64} {
  func.func @_deg_kernel(%arg0: i32, %arg1: i32, %arg2: memref<2560x128xi32, #tpu.memory_space<hbm>>, %arg3: memref<128x16xf32, #tpu.memory_space<hbm>>, %arg4: memref<641x16xf32, #tpu.memory_space<hbm>>, %arg5: memref<20480x16xf32, #tpu.memory_space<hbm>>, %arg6: memref<80x128xi32, #tpu.memory_space<vmem>>, %arg7: memref<128x16xf32, #tpu.memory_space<vmem>>, %arg8: memref<10256x16xf32, #tpu.memory_space<vmem_shared>>) attributes {dimension_semantics = [#tpu.dimension_semantics<core_parallel>, #tpu.dimension_semantics<subcore_parallel>], iteration_bounds = array<i64: 2, 16>, scalar_prefetch = 0 : i64, scratch_operands = 3 : i64, tpu.core_type = #tpu.core_type<sc_vector_subcore>, window_params = [{transform_indices = #map}, {transform_indices = #map}, {transform_indices = #map}, {transform_indices = #map}]} {
    %mul3A = arith.constant 640 : i32
    %mul3A_0 = arith.muli %arg1, %mul3A : i32
    "tpu.region"() ({
      %run_scoped3A = tpu.sem_alloc : memref<!tpu.dma_semaphore, #tpu.memory_space<semaphore_mem>>
      tpu.enqueue_dma source(%arg3 : memref<128x16xf32, #tpu.memory_space<hbm>>) target(%arg7 : memref<128x16xf32, #tpu.memory_space<vmem>>) target_semaphore(%run_scoped3A : memref<!tpu.dma_semaphore, #tpu.memory_space<semaphore_mem>>)
      tpu.wait_dma2 semaphore(%run_scoped3A : memref<!tpu.dma_semaphore, #tpu.memory_space<semaphore_mem>>) src(%arg3 : memref<128x16xf32, #tpu.memory_space<hbm>>) dst(%arg7 : memref<128x16xf32, #tpu.memory_space<vmem>>)
      tpu.yield
    }) : () -> ()
    "tpu.region"() ({
      %run_scoped3A = tpu.sem_alloc : memref<!tpu.dma_semaphore, #tpu.memory_space<semaphore_mem>>
      %dma_start3A = arith.constant 0 : i32
      %dma_start3A_14 = tpu.memref_slice %arg8[%mul3A_0, %dma_start3A] : memref<10256x16xf32, #tpu.memory_space<vmem_shared>> -> memref<640x16xf32, #tpu.memory_space<vmem_shared>>
      %dma_start3A_15 = arith.constant 0 : i32
      %dma_start3A_16 = arith.constant 0 : i32
      %dma_start3A_17 = tpu.memref_slice %arg4[%dma_start3A_15, %dma_start3A_16] : memref<641x16xf32, #tpu.memory_space<hbm>> -> memref<640x16xf32, #tpu.memory_space<hbm>>
      tpu.enqueue_dma source(%dma_start3A_17 : memref<640x16xf32, #tpu.memory_space<hbm>>) target(%dma_start3A_14 : memref<640x16xf32, #tpu.memory_space<vmem_shared>>) target_semaphore(%run_scoped3A : memref<!tpu.dma_semaphore, #tpu.memory_space<semaphore_mem>>)
      %dma_wait3A = arith.constant 0 : i32
      %dma_wait3A_18 = tpu.memref_slice %arg8[%mul3A_0, %dma_wait3A] : memref<10256x16xf32, #tpu.memory_space<vmem_shared>> -> memref<640x16xf32, #tpu.memory_space<vmem_shared>>
      %dma_wait3A_19 = arith.constant 0 : i32
      %dma_wait3A_20 = arith.constant 0 : i32
      %dma_wait3A_21 = tpu.memref_slice %arg4[%dma_wait3A_19, %dma_wait3A_20] : memref<641x16xf32, #tpu.memory_space<hbm>> -> memref<640x16xf32, #tpu.memory_space<hbm>>
      tpu.wait_dma2 semaphore(%run_scoped3A : memref<!tpu.dma_semaphore, #tpu.memory_space<semaphore_mem>>) src(%dma_wait3A_21 : memref<640x16xf32, #tpu.memory_space<hbm>>) dst(%dma_wait3A_18 : memref<640x16xf32, #tpu.memory_space<vmem_shared>>)
      tpu.yield
    }) : () -> ()
    %mul3A_1 = arith.constant 1280 : i32
    %mul3A_2 = arith.muli %arg0, %mul3A_1 : i32
    %mul3A_3 = arith.constant 80 : i32
    %mul3A_4 = arith.muli %arg1, %mul3A_3 : i32
    %add3A = arith.addi %mul3A_2, %mul3A_4 : i32
    %multiple_of3A = tpu.assume_multiple %add3A, 8 : i32
    "tpu.region"() ({
      %run_scoped3A = tpu.sem_alloc : memref<!tpu.dma_semaphore, #tpu.memory_space<semaphore_mem>>
      %dma_start3A = arith.constant 0 : i32
      %dma_start3A_14 = tpu.memref_slice %arg2[%multiple_of3A, %dma_start3A] : memref<2560x128xi32, #tpu.memory_space<hbm>> -> memref<80x128xi32, #tpu.memory_space<hbm>>
      %dma_start3A_15 = arith.constant 0 : i32
      %dma_start3A_16 = tpu.memref_slice %arg2[%multiple_of3A, %dma_start3A_15] : memref<2560x128xi32, #tpu.memory_space<hbm>> -> memref<80x128xi32, #tpu.memory_space<hbm>>
      tpu.enqueue_dma source(%dma_start3A_16 : memref<80x128xi32, #tpu.memory_space<hbm>>) target(%arg6 : memref<80x128xi32, #tpu.memory_space<vmem>>) target_semaphore(%run_scoped3A : memref<!tpu.dma_semaphore, #tpu.memory_space<semaphore_mem>>)
      %dma_wait3A = arith.constant 0 : i32
      %dma_wait3A_17 = tpu.memref_slice %arg2[%multiple_of3A, %dma_wait3A] : memref<2560x128xi32, #tpu.memory_space<hbm>> -> memref<80x128xi32, #tpu.memory_space<hbm>>
      %dma_wait3A_18 = arith.constant 0 : i32
      %dma_wait3A_19 = tpu.memref_slice %arg2[%multiple_of3A, %dma_wait3A_18] : memref<2560x128xi32, #tpu.memory_space<hbm>> -> memref<80x128xi32, #tpu.memory_space<hbm>>
      tpu.wait_dma2 semaphore(%run_scoped3A : memref<!tpu.dma_semaphore, #tpu.memory_space<semaphore_mem>>) src(%dma_wait3A_19 : memref<80x128xi32, #tpu.memory_space<hbm>>) dst(%arg6 : memref<80x128xi32, #tpu.memory_space<vmem>>)
      tpu.yield
    }) : () -> ()
    %barrier3A = arith.constant 0 : index
    tpu.barrier barrier_id(%barrier3A)
    %scan3A = arith.constant 0 : i32
    %scan3A_5 = arith.constant 0 : i32
    %scan3A_6 = arith.constant 80 : i32
    %scan3A_7 = arith.addi %scan3A_5, %scan3A_6 : i32
    %scan3A_8 = arith.constant 1 : i32
    scf.for %scan3A_14 = %scan3A_5 to %scan3A_7 step %scan3A_8  : i32 {
      "tpu.region"() ({
        %run_scoped3A = tpu.sem_alloc : memref<!tpu.dma_semaphore, #tpu.memory_space<semaphore_mem>>
        %dma_start3A = arith.constant 0 : i32
        %dma_start3A_15 = tpu.memref_slice %arg6[%scan3A_14, %dma_start3A] : memref<80x128xi32, #tpu.memory_space<vmem>> -> memref<1x128xi32, #tpu.memory_space<vmem>>
        %dma_start3A_16 = tpu.memref_squeeze %dma_start3A_15 : memref<1x128xi32, #tpu.memory_space<vmem>> -> memref<128xi32, #tpu.memory_space<vmem>>
        %dma_start3A_17 = arith.constant 0 : i32
        %dma_start3A_18 = arith.constant 0 : i32
        %dma_start3A_19 = tpu.memref_slice %arg8[%dma_start3A_17, %dma_start3A_18] : memref<10256x16xf32, #tpu.memory_space<vmem_shared>> -> memref<10256x16xf32, #tpu.memory_space<vmem_shared>>
        tpu.enqueue_indirect_dma source(%arg7 : memref<128x16xf32, #tpu.memory_space<vmem>>) target(%dma_start3A_19 : memref<10256x16xf32, #tpu.memory_space<vmem_shared>>) offsets(%dma_start3A_16 : memref<128xi32, #tpu.memory_space<vmem>>) semaphore(%run_scoped3A : memref<!tpu.dma_semaphore, #tpu.memory_space<semaphore_mem>>) {add = true}
        %dma_wait3A = arith.constant 0 : i32
        %dma_wait3A_20 = tpu.memref_slice %arg6[%scan3A_14, %dma_wait3A] : memref<80x128xi32, #tpu.memory_space<vmem>> -> memref<1x128xi32, #tpu.memory_space<vmem>>
        %dma_wait3A_21 = tpu.memref_squeeze %dma_wait3A_20 : memref<1x128xi32, #tpu.memory_space<vmem>> -> memref<128xi32, #tpu.memory_space<vmem>>
        %dma_wait3A_22 = arith.constant 0 : i32
        %dma_wait3A_23 = arith.constant 0 : i32
        %dma_wait3A_24 = tpu.memref_slice %arg8[%dma_wait3A_22, %dma_wait3A_23] : memref<10256x16xf32, #tpu.memory_space<vmem_shared>> -> memref<10256x16xf32, #tpu.memory_space<vmem_shared>>
        tpu.wait_indirect_dma semaphore(%run_scoped3A : memref<!tpu.dma_semaphore, #tpu.memory_space<semaphore_mem>>) src(%arg7 : memref<128x16xf32, #tpu.memory_space<vmem>>) dst(%dma_wait3A_24 : memref<10256x16xf32, #tpu.memory_space<vmem_shared>>)
        tpu.yield
      }) : () -> ()
    }
    %scan3A_9 = arith.constant 80 : i32
    %barrier3A_10 = arith.constant 0 : index
    tpu.barrier barrier_id(%barrier3A_10)
    %mul3A_11 = arith.constant 10240 : i32
    %mul3A_12 = arith.muli %arg0, %mul3A_11 : i32
    %add3A_13 = arith.addi %mul3A_12, %mul3A_0 : i32
    "tpu.region"() ({
      %run_scoped3A = tpu.sem_alloc : memref<!tpu.dma_semaphore, #tpu.memory_space<semaphore_mem>>
      %dma_start3A = arith.constant 0 : i32
      %dma_start3A_14 = tpu.memref_slice %arg5[%add3A_13, %dma_start3A] : memref<20480x16xf32, #tpu.memory_space<hbm>> -> memref<640x16xf32, #tpu.memory_space<hbm>>
      %dma_start3A_15 = arith.constant 0 : i32
      %dma_start3A_16 = tpu.memref_slice %arg8[%mul3A_0, %dma_start3A_15] : memref<10256x16xf32, #tpu.memory_space<vmem_shared>> -> memref<640x16xf32, #tpu.memory_space<vmem_shared>>
      tpu.enqueue_dma source(%dma_start3A_16 : memref<640x16xf32, #tpu.memory_space<vmem_shared>>) target(%dma_start3A_14 : memref<640x16xf32, #tpu.memory_space<hbm>>) target_semaphore(%run_scoped3A : memref<!tpu.dma_semaphore, #tpu.memory_space<semaphore_mem>>)
      %dma_wait3A = arith.constant 0 : i32
      %dma_wait3A_17 = tpu.memref_slice %arg5[%add3A_13, %dma_wait3A] : memref<20480x16xf32, #tpu.memory_space<hbm>> -> memref<640x16xf32, #tpu.memory_space<hbm>>
      %dma_wait3A_18 = arith.constant 0 : i32
      %dma_wait3A_19 = tpu.memref_slice %arg8[%mul3A_0, %dma_wait3A_18] : memref<10256x16xf32, #tpu.memory_space<vmem_shared>> -> memref<640x16xf32, #tpu.memory_space<vmem_shared>>
      tpu.wait_dma2 semaphore(%run_scoped3A : memref<!tpu.dma_semaphore, #tpu.memory_space<semaphore_mem>>) src(%dma_wait3A_19 : memref<640x16xf32, #tpu.memory_space<vmem_shared>>) dst(%dma_wait3A_17 : memref<640x16xf32, #tpu.memory_space<hbm>>)
      tpu.yield
    }) : () -> ()
    return
  }
}

#map = affine_map<(d0, d1) -> (0, 0)>
#map1 = affine_map<(d0, d1) -> (0)>
module attributes {stable_mosaic.version = 14 : i64} {
  func.func @_prop_kernel(%arg0: i32, %arg1: i32, %arg2: memref<20480x64xf32, #tpu.memory_space<hbm>>, %arg3: memref<655360xi32, #tpu.memory_space<hbm>>, %arg4: memref<2560x128xi32, #tpu.memory_space<hbm>>, %arg5: memref<20480x64xf32, #tpu.memory_space<hbm>>, %arg6: memref<20480xi32, #tpu.memory_space<vmem>>, %arg7: memref<160x128xi32, #tpu.memory_space<vmem>>, %arg8: memref<256x64xf32, #tpu.memory_space<vmem>>, %arg9: memref<256x64xf32, #tpu.memory_space<vmem>>, %arg10: memref<10256x64xf32, #tpu.memory_space<vmem_shared>>, %arg11: memref<!tpu.dma_semaphore, #tpu.memory_space<semaphore_mem>>, %arg12: memref<!tpu.dma_semaphore, #tpu.memory_space<semaphore_mem>>) attributes {dimension_semantics = [#tpu.dimension_semantics<core_parallel>, #tpu.dimension_semantics<subcore_parallel>], iteration_bounds = array<i64: 2, 16>, scalar_prefetch = 0 : i64, scratch_operands = 7 : i64, tpu.core_type = #tpu.core_type<sc_vector_subcore>, window_params = [{transform_indices = #map}, {transform_indices = #map1}, {transform_indices = #map}, {transform_indices = #map}]} {
    %mul3A = arith.constant 640 : i32
    %mul3A_0 = arith.muli %arg1, %mul3A : i32
    %mul3A_1 = arith.constant 10240 : i32
    %mul3A_2 = arith.muli %arg0, %mul3A_1 : i32
    %add3A = arith.addi %mul3A_2, %mul3A_0 : i32
    "tpu.region"() ({
      %run_scoped3A_42 = tpu.sem_alloc : memref<!tpu.dma_semaphore, #tpu.memory_space<semaphore_mem>>
      %dma_start3A_43 = arith.constant 0 : i32
      %dma_start3A_44 = tpu.memref_slice %arg10[%mul3A_0, %dma_start3A_43] : memref<10256x64xf32, #tpu.memory_space<vmem_shared>> -> memref<640x64xf32, #tpu.memory_space<vmem_shared>>
      %dma_start3A_45 = arith.constant 0 : i32
      %dma_start3A_46 = tpu.memref_slice %arg2[%add3A, %dma_start3A_45] : memref<20480x64xf32, #tpu.memory_space<hbm>> -> memref<640x64xf32, #tpu.memory_space<hbm>>
      tpu.enqueue_dma source(%dma_start3A_46 : memref<640x64xf32, #tpu.memory_space<hbm>>) target(%dma_start3A_44 : memref<640x64xf32, #tpu.memory_space<vmem_shared>>) target_semaphore(%run_scoped3A_42 : memref<!tpu.dma_semaphore, #tpu.memory_space<semaphore_mem>>)
      %dma_wait3A_47 = arith.constant 0 : i32
      %dma_wait3A_48 = tpu.memref_slice %arg10[%mul3A_0, %dma_wait3A_47] : memref<10256x64xf32, #tpu.memory_space<vmem_shared>> -> memref<640x64xf32, #tpu.memory_space<vmem_shared>>
      %dma_wait3A_49 = arith.constant 0 : i32
      %dma_wait3A_50 = tpu.memref_slice %arg2[%add3A, %dma_wait3A_49] : memref<20480x64xf32, #tpu.memory_space<hbm>> -> memref<640x64xf32, #tpu.memory_space<hbm>>
      tpu.wait_dma2 semaphore(%run_scoped3A_42 : memref<!tpu.dma_semaphore, #tpu.memory_space<semaphore_mem>>) src(%dma_wait3A_50 : memref<640x64xf32, #tpu.memory_space<hbm>>) dst(%dma_wait3A_48 : memref<640x64xf32, #tpu.memory_space<vmem_shared>>)
      tpu.yield
    }) : () -> ()
    %barrier3A = arith.constant 0 : index
    tpu.barrier barrier_id(%barrier3A)
    %mul3A_3 = arith.constant 327680 : i32
    %mul3A_4 = arith.muli %arg0, %mul3A_3 : i32
    %mul3A_5 = arith.constant 20480 : i32
    %mul3A_6 = arith.muli %arg1, %mul3A_5 : i32
    %add3A_7 = arith.addi %mul3A_4, %mul3A_6 : i32
    "tpu.region"() ({
      %run_scoped3A_42 = tpu.sem_alloc : memref<!tpu.dma_semaphore, #tpu.memory_space<semaphore_mem>>
      %dma_start3A_43 = tpu.memref_slice %arg3[%add3A_7] : memref<655360xi32, #tpu.memory_space<hbm>> -> memref<20480xi32, #tpu.memory_space<hbm>>
      %dma_start3A_44 = tpu.memref_slice %arg3[%add3A_7] : memref<655360xi32, #tpu.memory_space<hbm>> -> memref<20480xi32, #tpu.memory_space<hbm>>
      tpu.enqueue_dma source(%dma_start3A_44 : memref<20480xi32, #tpu.memory_space<hbm>>) target(%arg6 : memref<20480xi32, #tpu.memory_space<vmem>>) target_semaphore(%run_scoped3A_42 : memref<!tpu.dma_semaphore, #tpu.memory_space<semaphore_mem>>)
      %dma_wait3A_45 = tpu.memref_slice %arg3[%add3A_7] : memref<655360xi32, #tpu.memory_space<hbm>> -> memref<20480xi32, #tpu.memory_space<hbm>>
      %dma_wait3A_46 = tpu.memref_slice %arg3[%add3A_7] : memref<655360xi32, #tpu.memory_space<hbm>> -> memref<20480xi32, #tpu.memory_space<hbm>>
      tpu.wait_dma2 semaphore(%run_scoped3A_42 : memref<!tpu.dma_semaphore, #tpu.memory_space<semaphore_mem>>) src(%dma_wait3A_46 : memref<20480xi32, #tpu.memory_space<hbm>>) dst(%arg6 : memref<20480xi32, #tpu.memory_space<vmem>>)
      tpu.yield
    }) : () -> ()
    %mul3A_8 = arith.constant 160 : i32
    %mul3A_9 = arith.muli %arg1, %mul3A_8 : i32
    %multiple_of3A = tpu.assume_multiple %mul3A_9, 8 : i32
    "tpu.region"() ({
      %run_scoped3A_42 = tpu.sem_alloc : memref<!tpu.dma_semaphore, #tpu.memory_space<semaphore_mem>>
      %dma_start3A_43 = arith.constant 0 : i32
      %dma_start3A_44 = tpu.memref_slice %arg4[%multiple_of3A, %dma_start3A_43] : memref<2560x128xi32, #tpu.memory_space<hbm>> -> memref<160x128xi32, #tpu.memory_space<hbm>>
      %dma_start3A_45 = arith.constant 0 : i32
      %dma_start3A_46 = tpu.memref_slice %arg4[%multiple_of3A, %dma_start3A_45] : memref<2560x128xi32, #tpu.memory_space<hbm>> -> memref<160x128xi32, #tpu.memory_space<hbm>>
      tpu.enqueue_dma source(%dma_start3A_46 : memref<160x128xi32, #tpu.memory_space<hbm>>) target(%arg7 : memref<160x128xi32, #tpu.memory_space<vmem>>) target_semaphore(%run_scoped3A_42 : memref<!tpu.dma_semaphore, #tpu.memory_space<semaphore_mem>>)
      %dma_wait3A_47 = arith.constant 0 : i32
      %dma_wait3A_48 = tpu.memref_slice %arg4[%multiple_of3A, %dma_wait3A_47] : memref<2560x128xi32, #tpu.memory_space<hbm>> -> memref<160x128xi32, #tpu.memory_space<hbm>>
      %dma_wait3A_49 = arith.constant 0 : i32
      %dma_wait3A_50 = tpu.memref_slice %arg4[%multiple_of3A, %dma_wait3A_49] : memref<2560x128xi32, #tpu.memory_space<hbm>> -> memref<160x128xi32, #tpu.memory_space<hbm>>
      tpu.wait_dma2 semaphore(%run_scoped3A_42 : memref<!tpu.dma_semaphore, #tpu.memory_space<semaphore_mem>>) src(%dma_wait3A_50 : memref<160x128xi32, #tpu.memory_space<hbm>>) dst(%arg7 : memref<160x128xi32, #tpu.memory_space<vmem>>)
      tpu.yield
    }) : () -> ()
    %dma_start3A = arith.constant 0 : i32
    %dma_start3A_10 = tpu.memref_slice %arg6[%dma_start3A] : memref<20480xi32, #tpu.memory_space<vmem>> -> memref<256xi32, #tpu.memory_space<vmem>>
    %dma_start3A_11 = arith.constant 0 : i32
    %dma_start3A_12 = arith.constant 0 : i32
    %dma_start3A_13 = tpu.memref_slice %arg2[%dma_start3A_11, %dma_start3A_12] : memref<20480x64xf32, #tpu.memory_space<hbm>> -> memref<20480x64xf32, #tpu.memory_space<hbm>>
    tpu.enqueue_indirect_dma source(%dma_start3A_13 : memref<20480x64xf32, #tpu.memory_space<hbm>>) target(%arg8 : memref<256x64xf32, #tpu.memory_space<vmem>>) offsets(%dma_start3A_10 : memref<256xi32, #tpu.memory_space<vmem>>) semaphore(%arg11 : memref<!tpu.dma_semaphore, #tpu.memory_space<semaphore_mem>>)
    %scan3A = arith.constant 0 : i32
    %scan3A_14 = arith.constant 0 : i32
    %scan3A_15 = arith.constant 39 : i32
    %scan3A_16 = arith.addi %scan3A_14, %scan3A_15 : i32
    %scan3A_17 = arith.constant 1 : i32
    scf.for %scan3A_42 = %scan3A_14 to %scan3A_16 step %scan3A_17  : i32 {
      %mul3A_43 = arith.constant 2 : i32
      %mul3A_44 = arith.muli %mul3A_43, %scan3A_42 : i32
      %add3A_45 = arith.constant 1 : i32
      %add3A_46 = arith.addi %mul3A_44, %add3A_45 : i32
      %mul3A_47 = arith.constant 256 : i32
      %mul3A_48 = arith.muli %add3A_46, %mul3A_47 : i32
      %dma_start3A_49 = tpu.memref_slice %arg6[%mul3A_48] : memref<20480xi32, #tpu.memory_space<vmem>> -> memref<256xi32, #tpu.memory_space<vmem>>
      %dma_start3A_50 = arith.constant 0 : i32
      %dma_start3A_51 = arith.constant 0 : i32
      %dma_start3A_52 = tpu.memref_slice %arg2[%dma_start3A_50, %dma_start3A_51] : memref<20480x64xf32, #tpu.memory_space<hbm>> -> memref<20480x64xf32, #tpu.memory_space<hbm>>
      tpu.enqueue_indirect_dma source(%dma_start3A_52 : memref<20480x64xf32, #tpu.memory_space<hbm>>) target(%arg9 : memref<256x64xf32, #tpu.memory_space<vmem>>) offsets(%dma_start3A_49 : memref<256xi32, #tpu.memory_space<vmem>>) semaphore(%arg12 : memref<!tpu.dma_semaphore, #tpu.memory_space<semaphore_mem>>)
      %dma_wait3A_53 = arith.constant 0 : i32
      %dma_wait3A_54 = arith.constant 0 : i32
      %dma_wait3A_55 = tpu.memref_slice %arg2[%dma_wait3A_53, %dma_wait3A_54] : memref<20480x64xf32, #tpu.memory_space<hbm>> -> memref<256x64xf32, #tpu.memory_space<hbm>>
      %dma_wait3A_56 = arith.constant 0 : i32
      %dma_wait3A_57 = arith.constant 0 : i32
      %dma_wait3A_58 = tpu.memref_slice %arg2[%dma_wait3A_56, %dma_wait3A_57] : memref<20480x64xf32, #tpu.memory_space<hbm>> -> memref<256x64xf32, #tpu.memory_space<hbm>>
      tpu.wait_dma2 semaphore(%arg11 : memref<!tpu.dma_semaphore, #tpu.memory_space<semaphore_mem>>) src(%dma_wait3A_58 : memref<256x64xf32, #tpu.memory_space<hbm>>) dst(%arg8 : memref<256x64xf32, #tpu.memory_space<vmem>>)
      %mul3A_59 = arith.constant 2 : i32
      %mul3A_60 = arith.muli %mul3A_59, %mul3A_44 : i32
      %add3A_61 = arith.constant 0 : i32
      %add3A_62 = arith.addi %mul3A_60, %add3A_61 : i32
      "tpu.region"() ({
        %run_scoped3A_91 = tpu.sem_alloc : memref<!tpu.dma_semaphore, #tpu.memory_space<semaphore_mem>>
        %dma_start3A_92 = arith.constant 0 : i32
        %dma_start3A_93 = arith.constant 0 : i32
        %dma_start3A_94 = tpu.memref_slice %arg8[%dma_start3A_92, %dma_start3A_93] : memref<256x64xf32, #tpu.memory_space<vmem>> -> memref<128x64xf32, #tpu.memory_space<vmem>>
        %dma_start3A_95 = arith.constant 0 : i32
        %dma_start3A_96 = tpu.memref_slice %arg7[%add3A_62, %dma_start3A_95] : memref<160x128xi32, #tpu.memory_space<vmem>> -> memref<1x128xi32, #tpu.memory_space<vmem>>
        %dma_start3A_97 = tpu.memref_squeeze %dma_start3A_96 : memref<1x128xi32, #tpu.memory_space<vmem>> -> memref<128xi32, #tpu.memory_space<vmem>>
        %dma_start3A_98 = arith.constant 0 : i32
        %dma_start3A_99 = arith.constant 0 : i32
        %dma_start3A_100 = tpu.memref_slice %arg10[%dma_start3A_98, %dma_start3A_99] : memref<10256x64xf32, #tpu.memory_space<vmem_shared>> -> memref<10256x64xf32, #tpu.memory_space<vmem_shared>>
        tpu.enqueue_indirect_dma source(%dma_start3A_94 : memref<128x64xf32, #tpu.memory_space<vmem>>) target(%dma_start3A_100 : memref<10256x64xf32, #tpu.memory_space<vmem_shared>>) offsets(%dma_start3A_97 : memref<128xi32, #tpu.memory_space<vmem>>) semaphore(%run_scoped3A_91 : memref<!tpu.dma_semaphore, #tpu.memory_space<semaphore_mem>>) {add = true}
        %dma_wait3A_101 = arith.constant 0 : i32
        %dma_wait3A_102 = arith.constant 0 : i32
        %dma_wait3A_103 = tpu.memref_slice %arg8[%dma_wait3A_101, %dma_wait3A_102] : memref<256x64xf32, #tpu.memory_space<vmem>> -> memref<128x64xf32, #tpu.memory_space<vmem>>
        %dma_wait3A_104 = arith.constant 0 : i32
        %dma_wait3A_105 = tpu.memref_slice %arg7[%add3A_62, %dma_wait3A_104] : memref<160x128xi32, #tpu.memory_space<vmem>> -> memref<1x128xi32, #tpu.memory_space<vmem>>
        %dma_wait3A_106 = tpu.memref_squeeze %dma_wait3A_105 : memref<1x128xi32, #tpu.memory_space<vmem>> -> memref<128xi32, #tpu.memory_space<vmem>>
        %dma_wait3A_107 = arith.constant 0 : i32
        %dma_wait3A_108 = arith.constant 0 : i32
        %dma_wait3A_109 = tpu.memref_slice %arg10[%dma_wait3A_107, %dma_wait3A_108] : memref<10256x64xf32, #tpu.memory_space<vmem_shared>> -> memref<10256x64xf32, #tpu.memory_space<vmem_shared>>
        tpu.wait_indirect_dma semaphore(%run_scoped3A_91 : memref<!tpu.dma_semaphore, #tpu.memory_space<semaphore_mem>>) src(%dma_wait3A_103 : memref<128x64xf32, #tpu.memory_space<vmem>>) dst(%dma_wait3A_109 : memref<10256x64xf32, #tpu.memory_space<vmem_shared>>)
        tpu.yield
      }) : () -> ()
      %mul3A_63 = arith.constant 2 : i32
      %mul3A_64 = arith.muli %mul3A_63, %mul3A_44 : i32
      %add3A_65 = arith.constant 1 : i32
      %add3A_66 = arith.addi %mul3A_64, %add3A_65 : i32
      "tpu.region"() ({
        %run_scoped3A_91 = tpu.sem_alloc : memref<!tpu.dma_semaphore, #tpu.memory_space<semaphore_mem>>
        %dma_start3A_92 = arith.constant 128 : i32
        %dma_start3A_93 = arith.constant 0 : i32
        %dma_start3A_94 = tpu.memref_slice %arg8[%dma_start3A_92, %dma_start3A_93] : memref<256x64xf32, #tpu.memory_space<vmem>> -> memref<128x64xf32, #tpu.memory_space<vmem>>
        %dma_start3A_95 = arith.constant 0 : i32
        %dma_start3A_96 = tpu.memref_slice %arg7[%add3A_66, %dma_start3A_95] : memref<160x128xi32, #tpu.memory_space<vmem>> -> memref<1x128xi32, #tpu.memory_space<vmem>>
        %dma_start3A_97 = tpu.memref_squeeze %dma_start3A_96 : memref<1x128xi32, #tpu.memory_space<vmem>> -> memref<128xi32, #tpu.memory_space<vmem>>
        %dma_start3A_98 = arith.constant 0 : i32
        %dma_start3A_99 = arith.constant 0 : i32
        %dma_start3A_100 = tpu.memref_slice %arg10[%dma_start3A_98, %dma_start3A_99] : memref<10256x64xf32, #tpu.memory_space<vmem_shared>> -> memref<10256x64xf32, #tpu.memory_space<vmem_shared>>
        tpu.enqueue_indirect_dma source(%dma_start3A_94 : memref<128x64xf32, #tpu.memory_space<vmem>>) target(%dma_start3A_100 : memref<10256x64xf32, #tpu.memory_space<vmem_shared>>) offsets(%dma_start3A_97 : memref<128xi32, #tpu.memory_space<vmem>>) semaphore(%run_scoped3A_91 : memref<!tpu.dma_semaphore, #tpu.memory_space<semaphore_mem>>) {add = true}
        %dma_wait3A_101 = arith.constant 128 : i32
        %dma_wait3A_102 = arith.constant 0 : i32
        %dma_wait3A_103 = tpu.memref_slice %arg8[%dma_wait3A_101, %dma_wait3A_102] : memref<256x64xf32, #tpu.memory_space<vmem>> -> memref<128x64xf32, #tpu.memory_space<vmem>>
        %dma_wait3A_104 = arith.constant 0 : i32
        %dma_wait3A_105 = tpu.memref_slice %arg7[%add3A_66, %dma_wait3A_104] : memref<160x128xi32, #tpu.memory_space<vmem>> -> memref<1x128xi32, #tpu.memory_space<vmem>>
        %dma_wait3A_106 = tpu.memref_squeeze %dma_wait3A_105 : memref<1x128xi32, #tpu.memory_space<vmem>> -> memref<128xi32, #tpu.memory_space<vmem>>
        %dma_wait3A_107 = arith.constant 0 : i32
        %dma_wait3A_108 = arith.constant 0 : i32
        %dma_wait3A_109 = tpu.memref_slice %arg10[%dma_wait3A_107, %dma_wait3A_108] : memref<10256x64xf32, #tpu.memory_space<vmem_shared>> -> memref<10256x64xf32, #tpu.memory_space<vmem_shared>>
        tpu.wait_indirect_dma semaphore(%run_scoped3A_91 : memref<!tpu.dma_semaphore, #tpu.memory_space<semaphore_mem>>) src(%dma_wait3A_103 : memref<128x64xf32, #tpu.memory_space<vmem>>) dst(%dma_wait3A_109 : memref<10256x64xf32, #tpu.memory_space<vmem_shared>>)
        tpu.yield
      }) : () -> ()
      %add3A_67 = arith.constant 2 : i32
      %add3A_68 = arith.addi %mul3A_44, %add3A_67 : i32
      %mul3A_69 = arith.constant 256 : i32
      %mul3A_70 = arith.muli %add3A_68, %mul3A_69 : i32
      %dma_start3A_71 = tpu.memref_slice %arg6[%mul3A_70] : memref<20480xi32, #tpu.memory_space<vmem>> -> memref<256xi32, #tpu.memory_space<vmem>>
      %dma_start3A_72 = arith.constant 0 : i32
      %dma_start3A_73 = arith.constant 0 : i32
      %dma_start3A_74 = tpu.memref_slice %arg2[%dma_start3A_72, %dma_start3A_73] : memref<20480x64xf32, #tpu.memory_space<hbm>> -> memref<20480x64xf32, #tpu.memory_space<hbm>>
      tpu.enqueue_indirect_dma source(%dma_start3A_74 : memref<20480x64xf32, #tpu.memory_space<hbm>>) target(%arg8 : memref<256x64xf32, #tpu.memory_space<vmem>>) offsets(%dma_start3A_71 : memref<256xi32, #tpu.memory_space<vmem>>) semaphore(%arg11 : memref<!tpu.dma_semaphore, #tpu.memory_space<semaphore_mem>>)
      %dma_wait3A_75 = arith.constant 0 : i32
      %dma_wait3A_76 = arith.constant 0 : i32
      %dma_wait3A_77 = tpu.memref_slice %arg2[%dma_wait3A_75, %dma_wait3A_76] : memref<20480x64xf32, #tpu.memory_space<hbm>> -> memref<256x64xf32, #tpu.memory_space<hbm>>
      %dma_wait3A_78 = arith.constant 0 : i32
      %dma_wait3A_79 = arith.constant 0 : i32
      %dma_wait3A_80 = tpu.memref_slice %arg2[%dma_wait3A_78, %dma_wait3A_79] : memref<20480x64xf32, #tpu.memory_space<hbm>> -> memref<256x64xf32, #tpu.memory_space<hbm>>
      tpu.wait_dma2 semaphore(%arg12 : memref<!tpu.dma_semaphore, #tpu.memory_space<semaphore_mem>>) src(%dma_wait3A_80 : memref<256x64xf32, #tpu.memory_space<hbm>>) dst(%arg9 : memref<256x64xf32, #tpu.memory_space<vmem>>)
      %add3A_81 = arith.constant 1 : i32
      %add3A_82 = arith.addi %mul3A_44, %add3A_81 : i32
      %mul3A_83 = arith.constant 2 : i32
      %mul3A_84 = arith.muli %mul3A_83, %add3A_82 : i32
      %add3A_85 = arith.constant 0 : i32
      %add3A_86 = arith.addi %mul3A_84, %add3A_85 : i32
      "tpu.region"() ({
        %run_scoped3A_91 = tpu.sem_alloc : memref<!tpu.dma_semaphore, #tpu.memory_space<semaphore_mem>>
        %dma_start3A_92 = arith.constant 0 : i32
        %dma_start3A_93 = arith.constant 0 : i32
        %dma_start3A_94 = tpu.memref_slice %arg9[%dma_start3A_92, %dma_start3A_93] : memref<256x64xf32, #tpu.memory_space<vmem>> -> memref<128x64xf32, #tpu.memory_space<vmem>>
        %dma_start3A_95 = arith.constant 0 : i32
        %dma_start3A_96 = tpu.memref_slice %arg7[%add3A_86, %dma_start3A_95] : memref<160x128xi32, #tpu.memory_space<vmem>> -> memref<1x128xi32, #tpu.memory_space<vmem>>
        %dma_start3A_97 = tpu.memref_squeeze %dma_start3A_96 : memref<1x128xi32, #tpu.memory_space<vmem>> -> memref<128xi32, #tpu.memory_space<vmem>>
        %dma_start3A_98 = arith.constant 0 : i32
        %dma_start3A_99 = arith.constant 0 : i32
        %dma_start3A_100 = tpu.memref_slice %arg10[%dma_start3A_98, %dma_start3A_99] : memref<10256x64xf32, #tpu.memory_space<vmem_shared>> -> memref<10256x64xf32, #tpu.memory_space<vmem_shared>>
        tpu.enqueue_indirect_dma source(%dma_start3A_94 : memref<128x64xf32, #tpu.memory_space<vmem>>) target(%dma_start3A_100 : memref<10256x64xf32, #tpu.memory_space<vmem_shared>>) offsets(%dma_start3A_97 : memref<128xi32, #tpu.memory_space<vmem>>) semaphore(%run_scoped3A_91 : memref<!tpu.dma_semaphore, #tpu.memory_space<semaphore_mem>>) {add = true}
        %dma_wait3A_101 = arith.constant 0 : i32
        %dma_wait3A_102 = arith.constant 0 : i32
        %dma_wait3A_103 = tpu.memref_slice %arg9[%dma_wait3A_101, %dma_wait3A_102] : memref<256x64xf32, #tpu.memory_space<vmem>> -> memref<128x64xf32, #tpu.memory_space<vmem>>
        %dma_wait3A_104 = arith.constant 0 : i32
        %dma_wait3A_105 = tpu.memref_slice %arg7[%add3A_86, %dma_wait3A_104] : memref<160x128xi32, #tpu.memory_space<vmem>> -> memref<1x128xi32, #tpu.memory_space<vmem>>
        %dma_wait3A_106 = tpu.memref_squeeze %dma_wait3A_105 : memref<1x128xi32, #tpu.memory_space<vmem>> -> memref<128xi32, #tpu.memory_space<vmem>>
        %dma_wait3A_107 = arith.constant 0 : i32
        %dma_wait3A_108 = arith.constant 0 : i32
        %dma_wait3A_109 = tpu.memref_slice %arg10[%dma_wait3A_107, %dma_wait3A_108] : memref<10256x64xf32, #tpu.memory_space<vmem_shared>> -> memref<10256x64xf32, #tpu.memory_space<vmem_shared>>
        tpu.wait_indirect_dma semaphore(%run_scoped3A_91 : memref<!tpu.dma_semaphore, #tpu.memory_space<semaphore_mem>>) src(%dma_wait3A_103 : memref<128x64xf32, #tpu.memory_space<vmem>>) dst(%dma_wait3A_109 : memref<10256x64xf32, #tpu.memory_space<vmem_shared>>)
        tpu.yield
      }) : () -> ()
      %mul3A_87 = arith.constant 2 : i32
      %mul3A_88 = arith.muli %mul3A_87, %add3A_82 : i32
      %add3A_89 = arith.constant 1 : i32
      %add3A_90 = arith.addi %mul3A_88, %add3A_89 : i32
      "tpu.region"() ({
        %run_scoped3A_91 = tpu.sem_alloc : memref<!tpu.dma_semaphore, #tpu.memory_space<semaphore_mem>>
        %dma_start3A_92 = arith.constant 128 : i32
        %dma_start3A_93 = arith.constant 0 : i32
        %dma_start3A_94 = tpu.memref_slice %arg9[%dma_start3A_92, %dma_start3A_93] : memref<256x64xf32, #tpu.memory_space<vmem>> -> memref<128x64xf32, #tpu.memory_space<vmem>>
        %dma_start3A_95 = arith.constant 0 : i32
        %dma_start3A_96 = tpu.memref_slice %arg7[%add3A_90, %dma_start3A_95] : memref<160x128xi32, #tpu.memory_space<vmem>> -> memref<1x128xi32, #tpu.memory_space<vmem>>
        %dma_start3A_97 = tpu.memref_squeeze %dma_start3A_96 : memref<1x128xi32, #tpu.memory_space<vmem>> -> memref<128xi32, #tpu.memory_space<vmem>>
        %dma_start3A_98 = arith.constant 0 : i32
        %dma_start3A_99 = arith.constant 0 : i32
        %dma_start3A_100 = tpu.memref_slice %arg10[%dma_start3A_98, %dma_start3A_99] : memref<10256x64xf32, #tpu.memory_space<vmem_shared>> -> memref<10256x64xf32, #tpu.memory_space<vmem_shared>>
        tpu.enqueue_indirect_dma source(%dma_start3A_94 : memref<128x64xf32, #tpu.memory_space<vmem>>) target(%dma_start3A_100 : memref<10256x64xf32, #tpu.memory_space<vmem_shared>>) offsets(%dma_start3A_97 : memref<128xi32, #tpu.memory_space<vmem>>) semaphore(%run_scoped3A_91 : memref<!tpu.dma_semaphore, #tpu.memory_space<semaphore_mem>>) {add = true}
        %dma_wait3A_101 = arith.constant 128 : i32
        %dma_wait3A_102 = arith.constant 0 : i32
        %dma_wait3A_103 = tpu.memref_slice %arg9[%dma_wait3A_101, %dma_wait3A_102] : memref<256x64xf32, #tpu.memory_space<vmem>> -> memref<128x64xf32, #tpu.memory_space<vmem>>
        %dma_wait3A_104 = arith.constant 0 : i32
        %dma_wait3A_105 = tpu.memref_slice %arg7[%add3A_90, %dma_wait3A_104] : memref<160x128xi32, #tpu.memory_space<vmem>> -> memref<1x128xi32, #tpu.memory_space<vmem>>
        %dma_wait3A_106 = tpu.memref_squeeze %dma_wait3A_105 : memref<1x128xi32, #tpu.memory_space<vmem>> -> memref<128xi32, #tpu.memory_space<vmem>>
        %dma_wait3A_107 = arith.constant 0 : i32
        %dma_wait3A_108 = arith.constant 0 : i32
        %dma_wait3A_109 = tpu.memref_slice %arg10[%dma_wait3A_107, %dma_wait3A_108] : memref<10256x64xf32, #tpu.memory_space<vmem_shared>> -> memref<10256x64xf32, #tpu.memory_space<vmem_shared>>
        tpu.wait_indirect_dma semaphore(%run_scoped3A_91 : memref<!tpu.dma_semaphore, #tpu.memory_space<semaphore_mem>>) src(%dma_wait3A_103 : memref<128x64xf32, #tpu.memory_space<vmem>>) dst(%dma_wait3A_109 : memref<10256x64xf32, #tpu.memory_space<vmem_shared>>)
        tpu.yield
      }) : () -> ()
    }
    %scan3A_18 = arith.constant 39 : i32
    %dma_start3A_19 = arith.constant 20224 : i32
    %dma_start3A_20 = tpu.memref_slice %arg6[%dma_start3A_19] : memref<20480xi32, #tpu.memory_space<vmem>> -> memref<256xi32, #tpu.memory_space<vmem>>
    %dma_start3A_21 = arith.constant 0 : i32
    %dma_start3A_22 = arith.constant 0 : i32
    %dma_start3A_23 = tpu.memref_slice %arg2[%dma_start3A_21, %dma_start3A_22] : memref<20480x64xf32, #tpu.memory_space<hbm>> -> memref<20480x64xf32, #tpu.memory_space<hbm>>
    tpu.enqueue_indirect_dma source(%dma_start3A_23 : memref<20480x64xf32, #tpu.memory_space<hbm>>) target(%arg9 : memref<256x64xf32, #tpu.memory_space<vmem>>) offsets(%dma_start3A_20 : memref<256xi32, #tpu.memory_space<vmem>>) semaphore(%arg12 : memref<!tpu.dma_semaphore, #tpu.memory_space<semaphore_mem>>)
    %dma_wait3A = arith.constant 0 : i32
    %dma_wait3A_24 = arith.constant 0 : i32
    %dma_wait3A_25 = tpu.memref_slice %arg2[%dma_wait3A, %dma_wait3A_24] : memref<20480x64xf32, #tpu.memory_space<hbm>> -> memref<256x64xf32, #tpu.memory_space<hbm>>
    %dma_wait3A_26 = arith.constant 0 : i32
    %dma_wait3A_27 = arith.constant 0 : i32
    %dma_wait3A_28 = tpu.memref_slice %arg2[%dma_wait3A_26, %dma_wait3A_27] : memref<20480x64xf32, #tpu.memory_space<hbm>> -> memref<256x64xf32, #tpu.memory_space<hbm>>
    tpu.wait_dma2 semaphore(%arg11 : memref<!tpu.dma_semaphore, #tpu.memory_space<semaphore_mem>>) src(%dma_wait3A_28 : memref<256x64xf32, #tpu.memory_space<hbm>>) dst(%arg8 : memref<256x64xf32, #tpu.memory_space<vmem>>)
    %run_scoped3A = arith.constant 156 : i32
    "tpu.region"() ({
      %run_scoped3A_42 = tpu.sem_alloc : memref<!tpu.dma_semaphore, #tpu.memory_space<semaphore_mem>>
      %dma_start3A_43 = arith.constant 0 : i32
      %dma_start3A_44 = arith.constant 0 : i32
      %dma_start3A_45 = tpu.memref_slice %arg8[%dma_start3A_43, %dma_start3A_44] : memref<256x64xf32, #tpu.memory_space<vmem>> -> memref<128x64xf32, #tpu.memory_space<vmem>>
      %dma_start3A_46 = arith.constant 0 : i32
      %dma_start3A_47 = tpu.memref_slice %arg7[%run_scoped3A, %dma_start3A_46] : memref<160x128xi32, #tpu.memory_space<vmem>> -> memref<1x128xi32, #tpu.memory_space<vmem>>
      %dma_start3A_48 = tpu.memref_squeeze %dma_start3A_47 : memref<1x128xi32, #tpu.memory_space<vmem>> -> memref<128xi32, #tpu.memory_space<vmem>>
      %dma_start3A_49 = arith.constant 0 : i32
      %dma_start3A_50 = arith.constant 0 : i32
      %dma_start3A_51 = tpu.memref_slice %arg10[%dma_start3A_49, %dma_start3A_50] : memref<10256x64xf32, #tpu.memory_space<vmem_shared>> -> memref<10256x64xf32, #tpu.memory_space<vmem_shared>>
      tpu.enqueue_indirect_dma source(%dma_start3A_45 : memref<128x64xf32, #tpu.memory_space<vmem>>) target(%dma_start3A_51 : memref<10256x64xf32, #tpu.memory_space<vmem_shared>>) offsets(%dma_start3A_48 : memref<128xi32, #tpu.memory_space<vmem>>) semaphore(%run_scoped3A_42 : memref<!tpu.dma_semaphore, #tpu.memory_space<semaphore_mem>>) {add = true}
      %dma_wait3A_52 = arith.constant 0 : i32
      %dma_wait3A_53 = arith.constant 0 : i32
      %dma_wait3A_54 = tpu.memref_slice %arg8[%dma_wait3A_52, %dma_wait3A_53] : memref<256x64xf32, #tpu.memory_space<vmem>> -> memref<128x64xf32, #tpu.memory_space<vmem>>
      %dma_wait3A_55 = arith.constant 0 : i32
      %dma_wait3A_56 = tpu.memref_slice %arg7[%run_scoped3A, %dma_wait3A_55] : memref<160x128xi32, #tpu.memory_space<vmem>> -> memref<1x128xi32, #tpu.memory_space<vmem>>
      %dma_wait3A_57 = tpu.memref_squeeze %dma_wait3A_56 : memref<1x128xi32, #tpu.memory_space<vmem>> -> memref<128xi32, #tpu.memory_space<vmem>>
      %dma_wait3A_58 = arith.constant 0 : i32
      %dma_wait3A_59 = arith.constant 0 : i32
      %dma_wait3A_60 = tpu.memref_slice %arg10[%dma_wait3A_58, %dma_wait3A_59] : memref<10256x64xf32, #tpu.memory_space<vmem_shared>> -> memref<10256x64xf32, #tpu.memory_space<vmem_shared>>
      tpu.wait_indirect_dma semaphore(%run_scoped3A_42 : memref<!tpu.dma_semaphore, #tpu.memory_space<semaphore_mem>>) src(%dma_wait3A_54 : memref<128x64xf32, #tpu.memory_space<vmem>>) dst(%dma_wait3A_60 : memref<10256x64xf32, #tpu.memory_space<vmem_shared>>)
      tpu.yield
    }) : () -> ()
    %run_scoped3A_29 = arith.constant 157 : i32
    "tpu.region"() ({
      %run_scoped3A_42 = tpu.sem_alloc : memref<!tpu.dma_semaphore, #tpu.memory_space<semaphore_mem>>
      %dma_start3A_43 = arith.constant 128 : i32
      %dma_start3A_44 = arith.constant 0 : i32
      %dma_start3A_45 = tpu.memref_slice %arg8[%dma_start3A_43, %dma_start3A_44] : memref<256x64xf32, #tpu.memory_space<vmem>> -> memref<128x64xf32, #tpu.memory_space<vmem>>
      %dma_start3A_46 = arith.constant 0 : i32
      %dma_start3A_47 = tpu.memref_slice %arg7[%run_scoped3A_29, %dma_start3A_46] : memref<160x128xi32, #tpu.memory_space<vmem>> -> memref<1x128xi32, #tpu.memory_space<vmem>>
      %dma_start3A_48 = tpu.memref_squeeze %dma_start3A_47 : memref<1x128xi32, #tpu.memory_space<vmem>> -> memref<128xi32, #tpu.memory_space<vmem>>
      %dma_start3A_49 = arith.constant 0 : i32
      %dma_start3A_50 = arith.constant 0 : i32
      %dma_start3A_51 = tpu.memref_slice %arg10[%dma_start3A_49, %dma_start3A_50] : memref<10256x64xf32, #tpu.memory_space<vmem_shared>> -> memref<10256x64xf32, #tpu.memory_space<vmem_shared>>
      tpu.enqueue_indirect_dma source(%dma_start3A_45 : memref<128x64xf32, #tpu.memory_space<vmem>>) target(%dma_start3A_51 : memref<10256x64xf32, #tpu.memory_space<vmem_shared>>) offsets(%dma_start3A_48 : memref<128xi32, #tpu.memory_space<vmem>>) semaphore(%run_scoped3A_42 : memref<!tpu.dma_semaphore, #tpu.memory_space<semaphore_mem>>) {add = true}
      %dma_wait3A_52 = arith.constant 128 : i32
      %dma_wait3A_53 = arith.constant 0 : i32
      %dma_wait3A_54 = tpu.memref_slice %arg8[%dma_wait3A_52, %dma_wait3A_53] : memref<256x64xf32, #tpu.memory_space<vmem>> -> memref<128x64xf32, #tpu.memory_space<vmem>>
      %dma_wait3A_55 = arith.constant 0 : i32
      %dma_wait3A_56 = tpu.memref_slice %arg7[%run_scoped3A_29, %dma_wait3A_55] : memref<160x128xi32, #tpu.memory_space<vmem>> -> memref<1x128xi32, #tpu.memory_space<vmem>>
      %dma_wait3A_57 = tpu.memref_squeeze %dma_wait3A_56 : memref<1x128xi32, #tpu.memory_space<vmem>> -> memref<128xi32, #tpu.memory_space<vmem>>
      %dma_wait3A_58 = arith.constant 0 : i32
      %dma_wait3A_59 = arith.constant 0 : i32
      %dma_wait3A_60 = tpu.memref_slice %arg10[%dma_wait3A_58, %dma_wait3A_59] : memref<10256x64xf32, #tpu.memory_space<vmem_shared>> -> memref<10256x64xf32, #tpu.memory_space<vmem_shared>>
      tpu.wait_indirect_dma semaphore(%run_scoped3A_42 : memref<!tpu.dma_semaphore, #tpu.memory_space<semaphore_mem>>) src(%dma_wait3A_54 : memref<128x64xf32, #tpu.memory_space<vmem>>) dst(%dma_wait3A_60 : memref<10256x64xf32, #tpu.memory_space<vmem_shared>>)
      tpu.yield
    }) : () -> ()
    %dma_wait3A_30 = arith.constant 0 : i32
    %dma_wait3A_31 = arith.constant 0 : i32
    %dma_wait3A_32 = tpu.memref_slice %arg2[%dma_wait3A_30, %dma_wait3A_31] : memref<20480x64xf32, #tpu.memory_space<hbm>> -> memref<256x64xf32, #tpu.memory_space<hbm>>
    %dma_wait3A_33 = arith.constant 0 : i32
    %dma_wait3A_34 = arith.constant 0 : i32
    %dma_wait3A_35 = tpu.memref_slice %arg2[%dma_wait3A_33, %dma_wait3A_34] : memref<20480x64xf32, #tpu.memory_space<hbm>> -> memref<256x64xf32, #tpu.memory_space<hbm>>
    tpu.wait_dma2 semaphore(%arg12 : memref<!tpu.dma_semaphore, #tpu.memory_space<semaphore_mem>>) src(%dma_wait3A_35 : memref<256x64xf32, #tpu.memory_space<hbm>>) dst(%arg9 : memref<256x64xf32, #tpu.memory_space<vmem>>)
    %run_scoped3A_36 = arith.constant 158 : i32
    "tpu.region"() ({
      %run_scoped3A_42 = tpu.sem_alloc : memref<!tpu.dma_semaphore, #tpu.memory_space<semaphore_mem>>
      %dma_start3A_43 = arith.constant 0 : i32
      %dma_start3A_44 = arith.constant 0 : i32
      %dma_start3A_45 = tpu.memref_slice %arg9[%dma_start3A_43, %dma_start3A_44] : memref<256x64xf32, #tpu.memory_space<vmem>> -> memref<128x64xf32, #tpu.memory_space<vmem>>
      %dma_start3A_46 = arith.constant 0 : i32
      %dma_start3A_47 = tpu.memref_slice %arg7[%run_scoped3A_36, %dma_start3A_46] : memref<160x128xi32, #tpu.memory_space<vmem>> -> memref<1x128xi32, #tpu.memory_space<vmem>>
      %dma_start3A_48 = tpu.memref_squeeze %dma_start3A_47 : memref<1x128xi32, #tpu.memory_space<vmem>> -> memref<128xi32, #tpu.memory_space<vmem>>
      %dma_start3A_49 = arith.constant 0 : i32
      %dma_start3A_50 = arith.constant 0 : i32
      %dma_start3A_51 = tpu.memref_slice %arg10[%dma_start3A_49, %dma_start3A_50] : memref<10256x64xf32, #tpu.memory_space<vmem_shared>> -> memref<10256x64xf32, #tpu.memory_space<vmem_shared>>
      tpu.enqueue_indirect_dma source(%dma_start3A_45 : memref<128x64xf32, #tpu.memory_space<vmem>>) target(%dma_start3A_51 : memref<10256x64xf32, #tpu.memory_space<vmem_shared>>) offsets(%dma_start3A_48 : memref<128xi32, #tpu.memory_space<vmem>>) semaphore(%run_scoped3A_42 : memref<!tpu.dma_semaphore, #tpu.memory_space<semaphore_mem>>) {add = true}
      %dma_wait3A_52 = arith.constant 0 : i32
      %dma_wait3A_53 = arith.constant 0 : i32
      %dma_wait3A_54 = tpu.memref_slice %arg9[%dma_wait3A_52, %dma_wait3A_53] : memref<256x64xf32, #tpu.memory_space<vmem>> -> memref<128x64xf32, #tpu.memory_space<vmem>>
      %dma_wait3A_55 = arith.constant 0 : i32
      %dma_wait3A_56 = tpu.memref_slice %arg7[%run_scoped3A_36, %dma_wait3A_55] : memref<160x128xi32, #tpu.memory_space<vmem>> -> memref<1x128xi32, #tpu.memory_space<vmem>>
      %dma_wait3A_57 = tpu.memref_squeeze %dma_wait3A_56 : memref<1x128xi32, #tpu.memory_space<vmem>> -> memref<128xi32, #tpu.memory_space<vmem>>
      %dma_wait3A_58 = arith.constant 0 : i32
      %dma_wait3A_59 = arith.constant 0 : i32
      %dma_wait3A_60 = tpu.memref_slice %arg10[%dma_wait3A_58, %dma_wait3A_59] : memref<10256x64xf32, #tpu.memory_space<vmem_shared>> -> memref<10256x64xf32, #tpu.memory_space<vmem_shared>>
      tpu.wait_indirect_dma semaphore(%run_scoped3A_42 : memref<!tpu.dma_semaphore, #tpu.memory_space<semaphore_mem>>) src(%dma_wait3A_54 : memref<128x64xf32, #tpu.memory_space<vmem>>) dst(%dma_wait3A_60 : memref<10256x64xf32, #tpu.memory_space<vmem_shared>>)
      tpu.yield
    }) : () -> ()
    %run_scoped3A_37 = arith.constant 159 : i32
    "tpu.region"() ({
      %run_scoped3A_42 = tpu.sem_alloc : memref<!tpu.dma_semaphore, #tpu.memory_space<semaphore_mem>>
      %dma_start3A_43 = arith.constant 128 : i32
      %dma_start3A_44 = arith.constant 0 : i32
      %dma_start3A_45 = tpu.memref_slice %arg9[%dma_start3A_43, %dma_start3A_44] : memref<256x64xf32, #tpu.memory_space<vmem>> -> memref<128x64xf32, #tpu.memory_space<vmem>>
      %dma_start3A_46 = arith.constant 0 : i32
      %dma_start3A_47 = tpu.memref_slice %arg7[%run_scoped3A_37, %dma_start3A_46] : memref<160x128xi32, #tpu.memory_space<vmem>> -> memref<1x128xi32, #tpu.memory_space<vmem>>
      %dma_start3A_48 = tpu.memref_squeeze %dma_start3A_47 : memref<1x128xi32, #tpu.memory_space<vmem>> -> memref<128xi32, #tpu.memory_space<vmem>>
      %dma_start3A_49 = arith.constant 0 : i32
      %dma_start3A_50 = arith.constant 0 : i32
      %dma_start3A_51 = tpu.memref_slice %arg10[%dma_start3A_49, %dma_start3A_50] : memref<10256x64xf32, #tpu.memory_space<vmem_shared>> -> memref<10256x64xf32, #tpu.memory_space<vmem_shared>>
      tpu.enqueue_indirect_dma source(%dma_start3A_45 : memref<128x64xf32, #tpu.memory_space<vmem>>) target(%dma_start3A_51 : memref<10256x64xf32, #tpu.memory_space<vmem_shared>>) offsets(%dma_start3A_48 : memref<128xi32, #tpu.memory_space<vmem>>) semaphore(%run_scoped3A_42 : memref<!tpu.dma_semaphore, #tpu.memory_space<semaphore_mem>>) {add = true}
      %dma_wait3A_52 = arith.constant 128 : i32
      %dma_wait3A_53 = arith.constant 0 : i32
      %dma_wait3A_54 = tpu.memref_slice %arg9[%dma_wait3A_52, %dma_wait3A_53] : memref<256x64xf32, #tpu.memory_space<vmem>> -> memref<128x64xf32, #tpu.memory_space<vmem>>
      %dma_wait3A_55 = arith.constant 0 : i32
      %dma_wait3A_56 = tpu.memref_slice %arg7[%run_scoped3A_37, %dma_wait3A_55] : memref<160x128xi32, #tpu.memory_space<vmem>> -> memref<1x128xi32, #tpu.memory_space<vmem>>
      %dma_wait3A_57 = tpu.memref_squeeze %dma_wait3A_56 : memref<1x128xi32, #tpu.memory_space<vmem>> -> memref<128xi32, #tpu.memory_space<vmem>>
      %dma_wait3A_58 = arith.constant 0 : i32
      %dma_wait3A_59 = arith.constant 0 : i32
      %dma_wait3A_60 = tpu.memref_slice %arg10[%dma_wait3A_58, %dma_wait3A_59] : memref<10256x64xf32, #tpu.memory_space<vmem_shared>> -> memref<10256x64xf32, #tpu.memory_space<vmem_shared>>
      tpu.wait_indirect_dma semaphore(%run_scoped3A_42 : memref<!tpu.dma_semaphore, #tpu.memory_space<semaphore_mem>>) src(%dma_wait3A_54 : memref<128x64xf32, #tpu.memory_space<vmem>>) dst(%dma_wait3A_60 : memref<10256x64xf32, #tpu.memory_space<vmem_shared>>)
      tpu.yield
    }) : () -> ()
    %barrier3A_38 = arith.constant 0 : index
    tpu.barrier barrier_id(%barrier3A_38)
    %mul3A_39 = arith.constant 10240 : i32
    %mul3A_40 = arith.muli %arg0, %mul3A_39 : i32
    %add3A_41 = arith.addi %mul3A_40, %mul3A_0 : i32
    "tpu.region"() ({
      %run_scoped3A_42 = tpu.sem_alloc : memref<!tpu.dma_semaphore, #tpu.memory_space<semaphore_mem>>
      %dma_start3A_43 = arith.constant 0 : i32
      %dma_start3A_44 = tpu.memref_slice %arg5[%add3A_41, %dma_start3A_43] : memref<20480x64xf32, #tpu.memory_space<hbm>> -> memref<640x64xf32, #tpu.memory_space<hbm>>
      %dma_start3A_45 = arith.constant 0 : i32
      %dma_start3A_46 = tpu.memref_slice %arg10[%mul3A_0, %dma_start3A_45] : memref<10256x64xf32, #tpu.memory_space<vmem_shared>> -> memref<640x64xf32, #tpu.memory_space<vmem_shared>>
      tpu.enqueue_dma source(%dma_start3A_46 : memref<640x64xf32, #tpu.memory_space<vmem_shared>>) target(%dma_start3A_44 : memref<640x64xf32, #tpu.memory_space<hbm>>) target_semaphore(%run_scoped3A_42 : memref<!tpu.dma_semaphore, #tpu.memory_space<semaphore_mem>>)
      %dma_wait3A_47 = arith.constant 0 : i32
      %dma_wait3A_48 = tpu.memref_slice %arg5[%add3A_41, %dma_wait3A_47] : memref<20480x64xf32, #tpu.memory_space<hbm>> -> memref<640x64xf32, #tpu.memory_space<hbm>>
      %dma_wait3A_49 = arith.constant 0 : i32
      %dma_wait3A_50 = tpu.memref_slice %arg10[%mul3A_0, %dma_wait3A_49] : memref<10256x64xf32, #tpu.memory_space<vmem_shared>> -> memref<640x64xf32, #tpu.memory_space<vmem_shared>>
      tpu.wait_dma2 semaphore(%run_scoped3A_42 : memref<!tpu.dma_semaphore, #tpu.memory_space<semaphore_mem>>) src(%dma_wait3A_50 : memref<640x64xf32, #tpu.memory_space<vmem_shared>>) dst(%dma_wait3A_48 : memref<640x64xf32, #tpu.memory_space<hbm>>)
      tpu.yield
    }) : () -> ()
    return
  }
}

module attributes {stable_mosaic.version = 14 : i64} {
  func.func @_pre_body(%arg0: i32, %arg1: memref<1024x128xf32, #tpu.memory_space<vmem>>, %arg2: memref<128x128xf32, #tpu.memory_space<vmem>>, %arg3: memref<1024xf32, #tpu.memory_space<vmem>>, %arg4: memref<2x1024x64xf32, #tpu.memory_space<vmem>>) attributes {dimension_semantics = [#tpu.dimension_semantics<arbitrary>], iteration_bounds = array<i64: 10>, scalar_prefetch = 0 : i64, scratch_operands = 0 : i64, tpu.core_type = #tpu.core_type<tc>, window_params = [{transform_indices = @transform_0, window_bounds = array<i64: 1024, 128>}, {pipeline_mode = #tpu.pipeline_mode<synchronous>, transform_indices = @transform_1, window_bounds = array<i64: 128, 128>}, {transform_indices = @transform_2, window_bounds = array<i64: 1024>}, {transform_indices = @transform_3, window_bounds = array<i64: 2, 1024, 64>}]} {
    %get3A = arith.constant 0 : index
    %get3A_0 = vector.load %arg3[%get3A] : memref<1024xf32, #tpu.memory_space<vmem>>, vector<1024xf32>
    %rsqrt3A = math.rsqrt %get3A_0 : vector<1024xf32>
    %broadcast_in_dim3A = vector.shape_cast %rsqrt3A : vector<1024xf32> to vector<1024x1xf32>
    %get3A_1 = arith.constant 0 : index
    %get3A_2 = arith.constant 0 : index
    %get3A_3 = vector.load %arg1[%get3A_1, %get3A_2] : memref<1024x128xf32, #tpu.memory_space<vmem>>, vector<1024x128xf32>
    %get3A_4 = arith.constant 0 : index
    %get3A_5 = arith.constant 0 : index
    %get3A_6 = vector.load %arg2[%get3A_4, %get3A_5] : memref<128x128xf32, #tpu.memory_space<vmem>>, vector<128x128xf32>
    %transpose3A = tpu.transpose %get3A_6, [1, 0] : vector<128x128xf32> -> vector<128x128xf32>
    %dot_general3A = arith.constant dense<0.000000e+00> : vector<1024x128xf32>
    %dot_general3A_7 = tpu.matmul %get3A_3, %transpose3A, %dot_general3A {dimension_numbers = #tpu.dot_dimension_numbers<[1], [0], [0], [1], [0, 0, 1, 1], [], []>, transpose_lhs_hint = false} : vector<1024x128xf32>, vector<128x128xf32>, vector<1024x128xf32> -> vector<1024x128xf32>
    %mul3A = vector.broadcast %broadcast_in_dim3A : vector<1024x1xf32> to vector<1024x128xf32>
    %mul3A_8 = arith.mulf %dot_general3A_7, %mul3A : vector<1024x128xf32>
    %slice3A = vector.extract_strided_slice %mul3A_8 {offsets = [0, 0], sizes = [1024, 64], strides = [1, 1]} : vector<1024x128xf32> to vector<1024x64xf32>
    %swap3A = arith.constant 0 : index
    %swap3A_9 = arith.constant 0 : index
    %swap3A_10 = arith.constant 0 : index
    %swap3A_11 = vector.load %arg4[%swap3A, %swap3A_9, %swap3A_10] : memref<2x1024x64xf32, #tpu.memory_space<vmem>>, vector<1x1024x64xf32>
    %swap3A_12 = vector.shape_cast %swap3A_11 : vector<1x1024x64xf32> to vector<1024x64xf32>
    %swap3A_13 = vector.shape_cast %slice3A : vector<1024x64xf32> to vector<1x1024x64xf32>
    tpu.vector_store %arg4[%swap3A, %swap3A_9, %swap3A_10], %swap3A_13 {strides = array<i32>} : memref<2x1024x64xf32, #tpu.memory_space<vmem>>, vector<1x1024x64xf32>,
    %slice3A_14 = vector.extract_strided_slice %mul3A_8 {offsets = [0, 64], sizes = [1024, 64], strides = [1, 1]} : vector<1024x128xf32> to vector<1024x64xf32>
    %swap3A_15 = arith.constant 1 : index
    %swap3A_16 = arith.constant 0 : index
    %swap3A_17 = arith.constant 0 : index
    %swap3A_18 = vector.load %arg4[%swap3A_15, %swap3A_16, %swap3A_17] : memref<2x1024x64xf32, #tpu.memory_space<vmem>>, vector<1x1024x64xf32>
    %swap3A_19 = vector.shape_cast %swap3A_18 : vector<1x1024x64xf32> to vector<1024x64xf32>
    %swap3A_20 = vector.shape_cast %slice3A_14 : vector<1024x64xf32> to vector<1x1024x64xf32>
    tpu.vector_store %arg4[%swap3A_15, %swap3A_16, %swap3A_17], %swap3A_20 {strides = array<i32>} : memref<2x1024x64xf32, #tpu.memory_space<vmem>>, vector<1x1024x64xf32>,
    return
  }
  func.func @transform_0(%arg0: i32) -> (i32, i32) {
    %c0_i32 = arith.constant 0 : i32
    %c0_i32_0 = arith.constant 0 : i32
    return %arg0, %c0_i32 : i32, i32
  }
  func.func @transform_1(%arg0: i32) -> (i32, i32) {
    %c0_i32 = arith.constant 0 : i32
    %c0_i32_0 = arith.constant 0 : i32
    %c0_i32_1 = arith.constant 0 : i32
    return %c0_i32, %c0_i32_0 : i32, i32
  }
  func.func @transform_2(%arg0: i32) -> i32 {
    %c0_i32 = arith.constant 0 : i32
    return %arg0 : i32
  }
  func.func @transform_3(%arg0: i32) -> (i32, i32, i32) {
    %c0_i32 = arith.constant 0 : i32
    %c0_i32_0 = arith.constant 0 : i32
    %c0_i32_1 = arith.constant 0 : i32
    return %c0_i32, %arg0, %c0_i32_0 : i32, i32, i32
  }
}

module attributes {stable_mosaic.version = 14 : i64} {
  func.func @_mid_body(%arg0: i32, %arg1: memref<2x1024x64xf32, #tpu.memory_space<vmem>>, %arg2: memref<1024xf32, #tpu.memory_space<vmem>>, %arg3: memref<128xf32, #tpu.memory_space<vmem>>, %arg4: memref<128x128xf32, #tpu.memory_space<vmem>>, %arg5: memref<2x1024x64xf32, #tpu.memory_space<vmem>>) attributes {dimension_semantics = [#tpu.dimension_semantics<arbitrary>], iteration_bounds = array<i64: 10>, scalar_prefetch = 0 : i64, scratch_operands = 0 : i64, tpu.core_type = #tpu.core_type<tc>, window_params = [{transform_indices = @transform_0, window_bounds = array<i64: 2, 1024, 64>}, {transform_indices = @transform_1, window_bounds = array<i64: 1024>}, {pipeline_mode = #tpu.pipeline_mode<synchronous>, transform_indices = @transform_2, window_bounds = array<i64: 128>}, {pipeline_mode = #tpu.pipeline_mode<synchronous>, transform_indices = @transform_3, window_bounds = array<i64: 128, 128>}, {transform_indices = @transform_4, window_bounds = array<i64: 2, 1024, 64>}]} {
    %get3A = arith.constant 0 : index
    %get3A_0 = vector.load %arg2[%get3A] : memref<1024xf32, #tpu.memory_space<vmem>>, vector<1024xf32>
    %rsqrt3A = math.rsqrt %get3A_0 : vector<1024xf32>
    %broadcast_in_dim3A = vector.shape_cast %rsqrt3A : vector<1024xf32> to vector<1024x1xf32>
    %get3A_1 = arith.constant 0 : index
    %get3A_2 = arith.constant 0 : index
    %get3A_3 = arith.constant 0 : index
    %get3A_4 = vector.load %arg1[%get3A_1, %get3A_2, %get3A_3] : memref<2x1024x64xf32, #tpu.memory_space<vmem>>, vector<1x1024x64xf32>
    %get3A_5 = vector.shape_cast %get3A_4 : vector<1x1024x64xf32> to vector<1024x64xf32>
    %get3A_6 = arith.constant 1 : index
    %get3A_7 = arith.constant 0 : index
    %get3A_8 = arith.constant 0 : index
    %get3A_9 = vector.load %arg1[%get3A_6, %get3A_7, %get3A_8] : memref<2x1024x64xf32, #tpu.memory_space<vmem>>, vector<1x1024x64xf32>
    %get3A_10 = vector.shape_cast %get3A_9 : vector<1x1024x64xf32> to vector<1024x64xf32>
    %concatenate3A = tpu.concatenate %get3A_5, %get3A_10 in 1 : vector<1024x64xf32>, vector<1024x64xf32> -> vector<1024x128xf32>
    %mul3A = vector.broadcast %broadcast_in_dim3A : vector<1024x1xf32> to vector<1024x128xf32>
    %mul3A_11 = arith.mulf %concatenate3A, %mul3A : vector<1024x128xf32>
    %get3A_12 = arith.constant 0 : index
    %get3A_13 = vector.load %arg3[%get3A_12] : memref<128xf32, #tpu.memory_space<vmem>>, vector<128xf32>
    %broadcast_in_dim3A_14 = vector.shape_cast %get3A_13 : vector<128xf32> to vector<1x128xf32>
    %add3A = vector.broadcast %broadcast_in_dim3A_14 : vector<1x128xf32> to vector<1024x128xf32>
    %add3A_15 = arith.addf %mul3A_11, %add3A : vector<1024x128xf32>
    %max3A = arith.constant 0.000000e+00 : f32
    %max3A_16 = vector.broadcast %max3A : f32 to vector<1024x128xf32>
    %max3A_17 = arith.maximumf %add3A_15, %max3A_16 : vector<1024x128xf32>
    %get3A_18 = arith.constant 0 : index
    %get3A_19 = arith.constant 0 : index
    %get3A_20 = vector.load %arg4[%get3A_18, %get3A_19] : memref<128x128xf32, #tpu.memory_space<vmem>>, vector<128x128xf32>
    %transpose3A = tpu.transpose %get3A_20, [1, 0] : vector<128x128xf32> -> vector<128x128xf32>
    %dot_general3A = arith.constant dense<0.000000e+00> : vector<1024x128xf32>
    %dot_general3A_21 = tpu.matmul %max3A_17, %transpose3A, %dot_general3A {dimension_numbers = #tpu.dot_dimension_numbers<[1], [0], [0], [1], [0, 0, 1, 1], [], []>, transpose_lhs_hint = false} : vector<1024x128xf32>, vector<128x128xf32>, vector<1024x128xf32> -> vector<1024x128xf32>
    %mul3A_22 = vector.broadcast %broadcast_in_dim3A : vector<1024x1xf32> to vector<1024x128xf32>
    %mul3A_23 = arith.mulf %dot_general3A_21, %mul3A_22 : vector<1024x128xf32>
    %slice3A = vector.extract_strided_slice %mul3A_23 {offsets = [0, 0], sizes = [1024, 64], strides = [1, 1]} : vector<1024x128xf32> to vector<1024x64xf32>
    %swap3A = arith.constant 0 : index
    %swap3A_24 = arith.constant 0 : index
    %swap3A_25 = arith.constant 0 : index
    %swap3A_26 = vector.load %arg5[%swap3A, %swap3A_24, %swap3A_25] : memref<2x1024x64xf32, #tpu.memory_space<vmem>>, vector<1x1024x64xf32>
    %swap3A_27 = vector.shape_cast %swap3A_26 : vector<1x1024x64xf32> to vector<1024x64xf32>
    %swap3A_28 = vector.shape_cast %slice3A : vector<1024x64xf32> to vector<1x1024x64xf32>
    tpu.vector_store %arg5[%swap3A, %swap3A_24, %swap3A_25], %swap3A_28 {strides = array<i32>} : memref<2x1024x64xf32, #tpu.memory_space<vmem>>, vector<1x1024x64xf32>,
    %slice3A_29 = vector.extract_strided_slice %mul3A_23 {offsets = [0, 64], sizes = [1024, 64], strides = [1, 1]} : vector<1024x128xf32> to vector<1024x64xf32>
    %swap3A_30 = arith.constant 1 : index
    %swap3A_31 = arith.constant 0 : index
    %swap3A_32 = arith.constant 0 : index
    %swap3A_33 = vector.load %arg5[%swap3A_30, %swap3A_31, %swap3A_32] : memref<2x1024x64xf32, #tpu.memory_space<vmem>>, vector<1x1024x64xf32>
    %swap3A_34 = vector.shape_cast %swap3A_33 : vector<1x1024x64xf32> to vector<1024x64xf32>
    %swap3A_35 = vector.shape_cast %slice3A_29 : vector<1024x64xf32> to vector<1x1024x64xf32>
    tpu.vector_store %arg5[%swap3A_30, %swap3A_31, %swap3A_32], %swap3A_35 {strides = array<i32>} : memref<2x1024x64xf32, #tpu.memory_space<vmem>>, vector<1x1024x64xf32>,
    return
  }
  func.func @transform_0(%arg0: i32) -> (i32, i32, i32) {
    %c0_i32 = arith.constant 0 : i32
    %c0_i32_0 = arith.constant 0 : i32
    %c0_i32_1 = arith.constant 0 : i32
    return %c0_i32, %arg0, %c0_i32_0 : i32, i32, i32
  }
  func.func @transform_1(%arg0: i32) -> i32 {
    %c0_i32 = arith.constant 0 : i32
    return %arg0 : i32
  }
  func.func @transform_2(%arg0: i32) -> i32 {
    %c0_i32 = arith.constant 0 : i32
    %c0_i32_0 = arith.constant 0 : i32
    return %c0_i32 : i32
  }
  func.func @transform_3(%arg0: i32) -> (i32, i32) {
    %c0_i32 = arith.constant 0 : i32
    %c0_i32_0 = arith.constant 0 : i32
    %c0_i32_1 = arith.constant 0 : i32
    return %c0_i32, %c0_i32_0 : i32, i32
  }
  func.func @transform_4(%arg0: i32) -> (i32, i32, i32) {
    %c0_i32 = arith.constant 0 : i32
    %c0_i32_0 = arith.constant 0 : i32
    %c0_i32_1 = arith.constant 0 : i32
    return %c0_i32, %arg0, %c0_i32_0 : i32, i32, i32
  }
}

module attributes {stable_mosaic.version = 14 : i64} {
  func.func @_final_body(%arg0: i32, %arg1: memref<2x1024x64xf32, #tpu.memory_space<vmem>>, %arg2: memref<1024xf32, #tpu.memory_space<vmem>>, %arg3: memref<128xf32, #tpu.memory_space<vmem>>, %arg4: memref<1024x128xf32, #tpu.memory_space<vmem>>) attributes {dimension_semantics = [#tpu.dimension_semantics<arbitrary>], iteration_bounds = array<i64: 10>, scalar_prefetch = 0 : i64, scratch_operands = 0 : i64, tpu.core_type = #tpu.core_type<tc>, window_params = [{transform_indices = @transform_0, window_bounds = array<i64: 2, 1024, 64>}, {transform_indices = @transform_1, window_bounds = array<i64: 1024>}, {pipeline_mode = #tpu.pipeline_mode<synchronous>, transform_indices = @transform_2, window_bounds = array<i64: 128>}, {transform_indices = @transform_3, window_bounds = array<i64: 1024, 128>}]} {
    %get3A = arith.constant 0 : index
    %get3A_0 = vector.load %arg2[%get3A] : memref<1024xf32, #tpu.memory_space<vmem>>, vector<1024xf32>
    %rsqrt3A = math.rsqrt %get3A_0 : vector<1024xf32>
    %broadcast_in_dim3A = vector.shape_cast %rsqrt3A : vector<1024xf32> to vector<1024x1xf32>
    %get3A_1 = arith.constant 0 : index
    %get3A_2 = arith.constant 0 : index
    %get3A_3 = arith.constant 0 : index
    %get3A_4 = vector.load %arg1[%get3A_1, %get3A_2, %get3A_3] : memref<2x1024x64xf32, #tpu.memory_space<vmem>>, vector<1x1024x64xf32>
    %get3A_5 = vector.shape_cast %get3A_4 : vector<1x1024x64xf32> to vector<1024x64xf32>
    %get3A_6 = arith.constant 1 : index
    %get3A_7 = arith.constant 0 : index
    %get3A_8 = arith.constant 0 : index
    %get3A_9 = vector.load %arg1[%get3A_6, %get3A_7, %get3A_8] : memref<2x1024x64xf32, #tpu.memory_space<vmem>>, vector<1x1024x64xf32>
    %get3A_10 = vector.shape_cast %get3A_9 : vector<1x1024x64xf32> to vector<1024x64xf32>
    %concatenate3A = tpu.concatenate %get3A_5, %get3A_10 in 1 : vector<1024x64xf32>, vector<1024x64xf32> -> vector<1024x128xf32>
    %mul3A = vector.broadcast %broadcast_in_dim3A : vector<1024x1xf32> to vector<1024x128xf32>
    %mul3A_11 = arith.mulf %concatenate3A, %mul3A : vector<1024x128xf32>
    %get3A_12 = arith.constant 0 : index
    %get3A_13 = vector.load %arg3[%get3A_12] : memref<128xf32, #tpu.memory_space<vmem>>, vector<128xf32>
    %broadcast_in_dim3A_14 = vector.shape_cast %get3A_13 : vector<128xf32> to vector<1x128xf32>
    %add3A = vector.broadcast %broadcast_in_dim3A_14 : vector<1x128xf32> to vector<1024x128xf32>
    %add3A_15 = arith.addf %mul3A_11, %add3A : vector<1024x128xf32>
    %swap3A = arith.constant 0 : index
    %swap3A_16 = arith.constant 0 : index
    %swap3A_17 = vector.load %arg4[%swap3A, %swap3A_16] : memref<1024x128xf32, #tpu.memory_space<vmem>>, vector<1024x128xf32>
    tpu.vector_store %arg4[%swap3A, %swap3A_16], %add3A_15 {strides = array<i32>} : memref<1024x128xf32, #tpu.memory_space<vmem>>, vector<1024x128xf32>,
    return
  }
  func.func @transform_0(%arg0: i32) -> (i32, i32, i32) {
    %c0_i32 = arith.constant 0 : i32
    %c0_i32_0 = arith.constant 0 : i32
    %c0_i32_1 = arith.constant 0 : i32
    return %c0_i32, %arg0, %c0_i32_0 : i32, i32, i32
  }
  func.func @transform_1(%arg0: i32) -> i32 {
    %c0_i32 = arith.constant 0 : i32
    return %arg0 : i32
  }
  func.func @transform_2(%arg0: i32) -> i32 {
    %c0_i32 = arith.constant 0 : i32
    %c0_i32_0 = arith.constant 0 : i32
    return %c0_i32 : i32
  }
  func.func @transform_3(%arg0: i32) -> (i32, i32) {
    %c0_i32 = arith.constant 0 : i32
    %c0_i32_0 = arith.constant 0 : i32
    return %arg0, %c0_i32 : i32, i32
  }
}

</mosaic_0001>

<sc_bundles>
// kernel: kernel.11.cloned.1.call-start
scs
__scs_entry_jumppad:
0x0: {  	(pc) =	sbr.rel $0x88, $3  }
0x1: {  	(tag) =	ssettag $0x0;
	lr =	simm.s32 $0x1  }
0x2: {  	[smem:$0x3F9B] =	sst lr;
	_ =	strace $0xD0000000  }
0x3: {  	_ = 	snop  }
0x4: {  	_ = 	snop  }
0x5: {  	_ = 	snop  }
0x6: {  	_ = 	snop  }
0x7: {  	_ = 	snop  }
__scs_overlays_trampoline_lowered:
0x8: {  	[smem:$0x3FAA] =	sst s0  }
0x9: {  	[smem:$0x3FAB] =	sst s1  }
0xa: {  	[smem:$0x3FAC] =	sst s2  }
0xb: {  	[smem:$0x3FAD] =	sst s3  }
0xc: {  	[smem:$0x3FAE] =	sst s4  }
0xd: {  	[smem:$0x3FAF] =	sst s5  }
0xe: {  	[smem:$0x3FB0] =	sst s6  }
0xf: {  	[smem:$0x3FB1] =	sst s7  }
0x10: {  	[smem:$0x3FB2] =	sst s8  }
0x11: {  	[smem:$0x3FB3] =	sst s9;
	s0 =	simm.s32 @!p0 $0x0  }
0x12: {  	s1 =	sld [smem:$0x3F99];
	s0 =	simm.s32 @p0 $0x1  }
0x13: {  	[smem:$0x3FB4] =	sst s0;
	s0 =	simm.s32 @!p1 $0x0  }
0x14: {  	s2 =	sld [smem:$0x3F98];
	s0 =	simm.s32 @p1 $0x1  }
0x15: {  	[smem:$0x3FB5] =	sst s0;
	s0 =	simm.s32 @!p2 $0x0  }
0x16: {  	s3 =	sld [smem:$0x3FDB];
	s0 =	simm.s32 @p2 $0x1  }
0x17: {  	s4 =	simm.s32 $0x1BF5;
	[smem:$0x3FB7] =	sst s0  }
0x18: {  	s0 =	sld [smem:$0x3F9A];
	_ =	swait.ge [sflag:s4], $0x0  }
0x19: {  	s7 =	sld [smem:$0x3F9B]  }
0x1a: {  	s8 =	sadd.s32 $0xFFFFE003, lr  }
0x1b: {  	s9 =	sadd.s32 $0xFFFFFEF7, lr;
	s5 =	simm.s32 $0xFFFFFFFF;
	p2 =	slt.u32 s8, $0xFFFFF086  }
0x1c: {  	p1 =	slt.u32 s9, $0xF7A;
	s5 =	simm.s32 @!p2 $0x0  }
0x1d: {  	s5 =	simm.s32 @p1 $0x1;
	p0 =	seq.s32 s7, s2  }
0x1e: {  	s7 =	smul.u32 @!p0 $0xF7A, s2;
	p2 =	seq.s32 @!p0 s5, $0x0  }
0x1f: {  	s9 =	smul.u32 $0xF7A, s1;
	s8 =	simm.s32 @!p0 $0x1BF5;
	p2 =	por !p2, p0  }
0x20: {  	[sflag:s8] =	ssyncset.s32 @!p0 $0xFFFFF086;
	s6 =	sadd.s32 @!p0 s3, s7;
	s7 =	simm.s32 @!p0 $0x108  }
0x21: {  	s3 =	sadd.s32 s3, s9;
	s6 =	sadd.s32 @!p0 $0x88, s6;
	s7 =	simm.s32 @p2 $0x1082  }
0x22: {  	[simem:s7], [sflag:s8] =	dma.local @!p0 [hbm:s6], $0xF7A  }
0x23: {  	s9 =	sor.u32 $0xD0000000, s2;
	s6 =	simm.s32 $0x108;
	_ =	swait.ge @!p0 [sflag:s8], $0x0  }
0x24: {  	s3 =	sadd.s32 $0x88, s3;
	s6 =	simm.s32 @!p1 $0x1082;
	[sflag:s4] =	ssyncset.s32 $0xFFFFF086  }
0x25: {  	[simem:s6], [sflag:s4] =	dma.local [hbm:s3], $0xF7A  }
0x26: {  	[smem:$0x3F9B] =	sst s1;
	(tag) =	ssettag s2;
	_ =	strace s9  }
0x27: {  	s1 =	sld [smem:$0x3FAB]  }
0x28: {  	s2 =	sld [smem:$0x3FAC]  }
0x29: {  	s4 =	sld [smem:$0x3FAE]  }
0x2a: {  	p0 =	seq.s32 s5, $0x0;
	s5 =	sld [smem:$0x3FAF]  }
0x2b: {  	s6 =	sld [smem:$0x3FB0]  }
0x2c: {  	s7 =	sld [smem:$0x3FB1]  }
0x2d: {  	s3 =	simm.s32 $0x108;
	s8 =	sld [smem:$0x3FB2]  }
0x2e: {  	s3 =	simm.s32 @!p0 $0x1082;
	s9 =	sld [smem:$0x3FB3]  }
0x2f: {  	lr =	sadd.s32 s0, s3;
	s0 =	sld [smem:$0x3FAA]  }
0x30: {  	s3 =	sld [smem:$0x3FAD]  }
0x31: {  	[smem:$0x3FB6] =	sst s10  }
0x32: {  	s10 =	sld [smem:$0x3FB4];
	_ =	sdelay $0x3  }
0x33: {  	p0 =	seq.s32 s10, $0x1;
	s10 =	sld [smem:$0x3FB6];
	_ =	sdelay $0x3  }
0x34: {  	[smem:$0x3FB6] =	sst s10  }
0x35: {  	s10 =	sld [smem:$0x3FB5];
	_ =	sdelay $0x3  }
0x36: {  	p1 =	seq.s32 s10, $0x1;
	s10 =	sld [smem:$0x3FB6];
	_ =	sdelay $0x3  }
0x37: {  	[smem:$0x3FB6] =	sst s10  }
0x38: {  	s10 =	sld [smem:$0x3FB7]  }
0x39: {  	_ = 	snop;
	(pc) =	sbr.ind lr, $3  }
0x3a: {  	_ = 	snop  }
0x3b: {  	_ = 	snop  }
0x3c: {  	p2 =	seq.s32 s10, $0x1;
	s10 =	sld [smem:$0x3FB6]  }
0x3d: {  	_ =	shalt  }
0x3e: {  	_ =	shalt  }
0x3f: {  	_ =	shalt  }
0x40: {  	_ =	shalt  }
0x41: {  	_ =	shalt  }
0x42: {  	_ =	shalt  }
0x43: {  	_ =	shalt  }
0x44: {  	_ =	shalt  }
0x45: {  	_ =	shalt  }
0x46: {  	_ =	shalt  }
0x47: {  	_ =	shalt  }
0x48: {  	_ =	shalt  }
0x49: {  	_ =	shalt  }
0x4a: {  	_ =	shalt  }
0x4b: {  	_ =	shalt  }
0x4c: {  	_ =	shalt  }
0x4d: {  	_ =	shalt  }
0x4e: {  	_ =	shalt  }
0x4f: {  	_ =	shalt  }
0x50: {  	_ =	shalt  }
0x51: {  	_ =	shalt  }
0x52: {  	_ =	shalt  }
0x53: {  	_ =	shalt  }
0x54: {  	_ =	shalt  }
0x55: {  	_ =	shalt  }
0x56: {  	_ =	shalt  }
0x57: {  	_ =	shalt  }
0x58: {  	_ =	shalt  }
0x59: {  	_ =	shalt  }
0x5a: {  	_ =	shalt  }
0x5b: {  	_ =	shalt  }
0x5c: {  	_ =	shalt  }
0x5d: {  	_ =	shalt  }
0x5e: {  	_ =	shalt  }
0x5f: {  	_ =	shalt  }
0x60: {  	_ =	shalt  }
0x61: {  	_ =	shalt  }
0x62: {  	_ =	shalt  }
0x63: {  	_ =	shalt  }
0x64: {  	_ =	shalt  }
0x65: {  	_ =	shalt  }
0x66: {  	_ =	shalt  }
0x67: {  	_ =	shalt  }
0x68: {  	_ =	shalt  }
0x69: {  	_ =	shalt  }
0x6a: {  	_ =	shalt  }
0x6b: {  	_ =	shalt  }
0x6c: {  	_ =	shalt  }
0x6d: {  	_ =	shalt  }
0x6e: {  	_ =	shalt  }
0x6f: {  	_ =	shalt  }
0x70: {  	_ =	shalt  }
0x71: {  	_ =	shalt  }
0x72: {  	_ =	shalt  }
0x73: {  	_ =	shalt  }
0x74: {  	_ =	shalt  }
0x75: {  	_ =	shalt  }
0x76: {  	_ =	shalt  }
0x77: {  	_ =	shalt  }
0x78: {  	_ =	shalt  }
0x79: {  	_ =	shalt  }
0x7a: {  	_ =	shalt  }
0x7b: {  	_ =	shalt  }
0x7c: {  	_ =	shalt  }
0x7d: {  	_ =	shalt  }
0x7e: {  	_ =	shalt  }
0x7f: {  	_ =	shalt  }
0x80: {  	_ =	shalt  }
0x81: {  	_ =	shalt  }
0x82: {  	_ =	shalt  }
0x83: {  	_ =	shalt  }
0x84: {  	_ =	shalt  }
0x85: {  	_ =	shalt  }
0x86: {  	_ =	shalt  }
0x87: {  	_ =	shalt  }
.Lfunc_end0:
.L_simem_size_0:
called_computation.1_lowered:
.L_overlay_start_0:
0x88: {  	s2 =	sld [smem:$0x3FD9]  }
0x89: {  	s3 =	sld [smem:$0x3FFE];
	_ =	sdelay $0x1  }
0x8a: {  	s1 =	srdreg.scid  }
0x8b: {  	s0 =	sand.u32 $0x1, s1  }
0x8c: {  	s17 =	sshll.u32 s0, $0xA;
	s2 =	sadd.s32 s3, s2  }
0x8d: {  	s2 =	sadd.s32 s2, s17  }
0x8e: {  	[smem:$0x3FC2] =	sst s2  }
0x8f: {  	_ = 	snop  }
0x90: {  	s2 =	sld [smem:$0x3FD0];
	(tm) =	ssettm $0x1  }
0x91: {  	s18 =	sld [smem:$0x3FFB];
	_ =	sdelay $0x3  }
0x92: {  	_ =	strace s18  }
0x93: {  	s3 =	sld [smem:$0x3FFC];
	_ =	sdelay $0x3  }
0x94: {  	_ =	strace s3  }
0x95: {  	s3 =	sld [smem:$0x3FFD];
	_ =	sdelay $0x3  }
0x96: {  	_ =	strace s3  }
0x97: {  	_ =	strace $0x8FFFFFFF  }
0x98: {  	s19 =	sld [smem:$0x3FDB];
	_ =	sdelay $0x1  }
0x99: {  	s4 =	simm.s32 $_scs_section_size  }
0x9a: {  	s5 =	simm.s32 $_size__tile_overlayer_lowered;
	s6 =	simm.s32 $_tile_overlayer_lowered  }
0x9b: {  	s22 =	simm.s32 $0x1BFF;
	s21 =	sshll.u32 s6, $0x1;
	s3 =	sadd.s32 s4, s19  }
0x9c: {  	s7 =	simm.s32 $0x0;
	s20 =	sshll.u32 s5, $0x1;
	s5 =	sadd.s32 s21, s3  }
0x9d: {  	[timem:s7], [sflag:s22] =	dma.local [hbm:s5], s20  }
0x9e: {  	_ =	swait.ge [sflag:s22], s20  }
0x9f: {  	s4 =	ssub.s32 $0x0, s20;
	[sflag:s22] =	ssyncset.done $0x0  }
0xa0: {  	[sflag:s22] =	ssyncadd.s32 s4;
	_ =	sdelay $0x1  }
0xa1: {  	s23 =	simm.s32 $0x1B8B  }
0xa2: {  	_ =	swait.ge [sflag:s23], $0x1  }
0xa3: {  	[sflag:s23] =	ssyncset.done $0x0  }
0xa4: {  	s25 =	simm.s32 $0x1B8E;
	s24 =	sld [smem:$0x3FFE];
	[sflag:s23] =	ssyncadd.s32 $0xFFFFFFFF  }
0xa5: {  	s26 =	simm.s32 $execute0_lowered;
	[smem:$0x3FD2] =	sst s25  }
0xa6: {  	s5 =	sshll.u32 s26, $0x1;
	_ =	strace $0x80000049;
	[dreg:$0x1] =	wrdreg $0xFFFFFFFF  }
0xa7: {  	s28 =	simm.s32 $_size_execute0_lowered;
	s3 =	sadd.s32 s3, s5;
	[dreg:$0x0] =	wrdreg $0x0  }
0xa8: {  	s5 =	sshll.u32 s28, $0x1;
	[dreg:$0x2] =	wrdreg s3  }
0xa9: {  	[dreg:$0x3] =	wrdreg s5  }
0xaa: {  	[dreg:$0x4] =	wrdreg $0xC0  }
0xab: {  	_ =	task [dreg:s7], $0x5FFFF  }
0xac: {  	[dreg:$0x1] =	wrdreg $0xFFFFFFFF  }
0xad: {  	[dreg:$0x0] =	wrdreg $0x60  }
0xae: {  	[dreg:$0x2] =	wrdreg s24  }
0xaf: {  	[dreg:$0x3] =	wrdreg s2  }
0xb0: {  	[dreg:$0x4] =	wrdreg $0x120000  }
0xb1: {  	[dreg:$0x5] =	wrdreg $0x9  }
0xb2: {  	_ =	task.clear_ibuf [dreg:s7], $0x6FFFF;
	_ =	strace $0x90000049  }
0xb3: {  	s29 =	simm.s32 $0x9;
	_ =	strace $0x8000004B  }
0xb4: {  	_ =	swait.ge [sflag:s29], $0x1  }
0xb5: {  	[sflag:s29] =	ssyncadd.s32 $0xFFFFFFFF  }
0xb6: {  	_ =	strace $0x9000004B  }
0xb7: {  	_ =	sfence  }
0xb8: {  	s30 =	sld [smem:$0x0];
	_ =	sdelay $0x2  }
0xb9: {  	s31 =	sshll.u32 s1, $0xD;
	s1 =	sshrl.u32 s1, $0x2  }
0xba: {  	s3 =	sand.u32 $0x4000, s31;
	s1 =	sadd.s32 s1, s30  }
0xbb: {  	s0 =	sor.u32 s3, s0;
	s1 =	sshll.u32 s1, $0x11  }
0xbc: {  	s0 =	sor.u32 s1, s0  }
0xbd: {  	s0 =	sadd.s32 $0x8F2B, s0  }
0xbe: {  	[sflag:s0] =	ssyncadd.remote.s32 $0x1  }
0xbf: {  	_ =	sfence.sel $0xFFFF  }
0xc0: {  	[dreg:$0x0] =	wrdreg $0xFFFFFFFF;
	(pc) =	sbr.abs _section_cstart, $3  }
0xc1: {  	[dreg:$0x1] =	wrdreg $0xFFFFFFFF  }
0xc2: {  	_ =	task.clear_ibuf [dreg:s7], $0x2FFFF;
	_ =	strace $0x9FFFFFFF  }
0xc3: {  	(tm) =	ssettm $0x7FFFFFFF  }
tec
execute0_lowered:
.L_overlay_start_1:
0x0: {  	(tag) =	ssettag $0x1  }
0x1: {  	s5 =	rddreg [dreg:$0x0]  }
0x2: {  	s7 =	rddreg [dreg:$0x1]  }
0x3: {  	s2 =	rddreg [dreg:$0x2]  }
0x4: {  	s0 =	stileid.u32;
	s4 =	srdreg.scid;
	s3 =	simm.s32 $0x0  }
0x5: {  	s15 =	simm.s32 $0xA000;
	s16 =	simm.s32 $0xE000;
	s17 =	simm.s32 $0x1  }
0x6: {  	s18 =	simm.s32 $0x80;
	s19 =	simm.s32 $0xC000;
	s20 =	simm.s32 $0x2  }
0x7: {  	s21 =	simm.s32 $0x10000;
	s22 =	simm.s32 $0x4F00;
	s6 =	smul.u32 $0xA00, s0  }
0x8: {  	s23 =	simm.s32 $0x9E00;
	s24 =	simm.s32 $0x9E80;
	s10 =	smul.u32 $0x280, s0  }
0x9: {  	s28 =	simm.s32 $0x0;
	s8 =	sand.u32 $0x1, s4;
	s25 =	smul.u32 $0x28000, s0  }
0xa: {  	[smem:$0x7FF] =	sst s3;
	s4 =	sadd.s32 $0xAE00, s5;
	s13 =	smul.u32 $0x5000, s0  }
0xb: {  	s31 =	sshll.u32 s0, $0x6;
	s9 =	smul.u32 $0x2800, s8;
	_ =	strace $0x8000004A  }
0xc: {  	s26 =	ssub.s32 $0x2, s8;
	s8 =	smul.u32 $0x50000, s8;
	s11 =	sadd.s32 s6, s5  }
0xd: {  	s12 =	sshrl.u32 s26, $0x1;
	s29 =	sshrl.u32 s25, $0x2;
	s6 =	sor.u32 $0x1C03, s31  }
0xe: {  	s25 =	simm.s32 $0x9F00;
	s9 =	sadd.s32 s10, s9;
	s10 =	ssub.s32 s26, s12  }
0xf: {  	s30 =	sadd.s32 s29, s2;
	s8 =	sadd.s32 s13, s8;
	s12 =	simm.s32 $0x3  }
0x10: {  	s13 =	simm.s32 $0x5000;
	s26 =	simm.s32 $0x9F80;
	s9 =	sshll.u32 s9, $0x3  }
0x11: {  	s8 =	sshrl.u32 s8, $0x3;
	s10 =	smax.u32 s10, $0x1;
	s14 =	sadd.s32 s9, s5  }
0x12: {  	s5 =	sadd.s32 s4, s9;
	s7 =	sadd.s32 s7, s8;
	s8 =	sadd.s32 $0xE00, s11  }
0x13: {  	s11 =	sshrl.u32 s30, $0x3;
	s9 =	sadd.s32 $0x32E00, s14;
	s14 =	simm.s32 $0x100  }
.LBB2_1:
0x14: {  	[spmem:s11], [sflag:s6] =	dma.local [hbm:s5], $0x1400  }
0x15: {  	_ =	swait.ge [sflag:s12], $0x1400  }
0x16: {  	[sflag:s12] =	ssyncset.done $0x0  }
0x17: {  	[sflag:s12] =	ssyncadd.s32 $0xFFFFEC00  }
0x18: {  	[bflag:$0x0] =	sbarrier.arrive $0xFFFF  }
0x19: {  	[tilespmem:s3], [sflag:$0x3] =	stream.linear.gather [hbm4b:s7+s3], $0x5000, $0x38;
	[tilespmem:$0x1C040] =	vst v63  }
0x1a: {  	_ =	swait.ge [sflag:s12], $0x5000  }
0x1b: {  	[sflag:s12] =	ssyncset.done $0x0  }
0x1c: {  	[sflag:s12] =	ssyncadd.s32 $0xFFFFB000  }
0x1d: {  	[tilespmem:s13], [sflag:$0x3] =	stream.linear.gather [hbm4b:s8+s3], $0x5000, $0x38;
	[tilespmem:$0x1C040] =	vst v63  }
0x1e: {  	_ =	swait.ge [sflag:s12], $0x5000  }
0x1f: {  	[sflag:s12] =	ssyncset.done $0x0  }
0x20: {  	[sflag:s12] =	ssyncadd.s32 $0xFFFFB000  }
0x21: {  	[tilespmem:s15], [sflag:$0x1] =	stream.indirect.gather [hbm4b:s4+s14], $0x40, s3, s14, $0xb8;
	[tilespmem:$0x1C040] =	vst v63  }
0x22: {  	s29 =	simm.s32 $0x100  }
0x23: {  	[tilespmem:s16], [sflag:$0x2] =	stream.indirect.gather [hbm4b:s4+s14], $0x40, s29, s14, $0xb8;
	[tilespmem:$0x1C040] =	vst v63  }
0x24: {  	_ =	swait.ge [sflag:s17], $0x4000  }
0x25: {  	[sflag:s17] =	ssyncset.done $0x0  }
0x26: {  	s29 =	simm.s32 $0x5000;
	[sflag:s17] =	ssyncadd.s32 $0xFFFFC000  }
0x27: {  	[spmem:s2] =	stream.indirect.scatter.add.f32 [tilespmem:s15], [sflag:$0x3], $0x40, s29, s18, $0xb8;
	[tilespmem:$0x1C040] =	vst v63  }
0x28: {  	_ =	swait.ge [sflag:s12], $0x2000  }
0x29: {  	[sflag:s12] =	ssyncset.done $0x0  }
0x2a: {  	s29 =	simm.s32 $0x5080;
	[sflag:s12] =	ssyncadd.s32 $0xFFFFE000  }
0x2b: {  	[spmem:s2] =	stream.indirect.scatter.add.f32 [tilespmem:s19], [sflag:$0x3], $0x40, s29, s18, $0xb8;
	[tilespmem:$0x1C040] =	vst v63  }
0x2c: {  	_ =	swait.ge [sflag:s12], $0x2000  }
0x2d: {  	[sflag:s12] =	ssyncset.done $0x0  }
0x2e: {  	s29 =	simm.s32 $0x200;
	[sflag:s12] =	ssyncadd.s32 $0xFFFFE000  }
0x2f: {  	[tilespmem:s15], [sflag:$0x1] =	stream.indirect.gather [hbm4b:s4+s14], $0x40, s29, s14, $0xb8;
	[tilespmem:$0x1C040] =	vst v63  }
0x30: {  	_ =	swait.ge [sflag:s20], $0x4000  }
0x31: {  	[sflag:s20] =	ssyncset.done $0x0  }
0x32: {  	s29 =	simm.s32 $0x5100;
	[sflag:s20] =	ssyncadd.s32 $0xFFFFC000  }
0x33: {  	[spmem:s2] =	stream.indirect.scatter.add.f32 [tilespmem:s16], [sflag:$0x3], $0x40, s29, s18, $0xb8;
	[tilespmem:$0x1C040] =	vst v63  }
0x34: {  	_ =	swait.ge [sflag:s12], $0x2000  }
0x35: {  	[sflag:s12] =	ssyncset.done $0x0  }
0x36: {  	s29 =	simm.s32 $0x5180;
	[sflag:s12] =	ssyncadd.s32 $0xFFFFE000  }
0x37: {  	[spmem:s2] =	stream.indirect.scatter.add.f32 [tilespmem:s21], [sflag:$0x3], $0x40, s29, s18, $0xb8;
	[tilespmem:$0x1C040] =	vst v63  }
0x38: {  	_ =	swait.ge [sflag:s12], $0x2000  }
0x39: {  	s30 =	simm.s32 $0x1000;
	s29 =	simm.s32 $0x200;
	[sflag:s12] =	ssyncset.done $0x0  }
.LBB2_2:
0x3a: {  	s31 =	sadd.s32 $0x100, s29  }
0x3b: {  	[sflag:s12] =	ssyncadd.s32 $0xFFFFE000;
	s0 =	smov.u32 s30;
	s1 =	sadd.s32 $0x800, s30  }
0x3c: {  	[tilespmem:s16], [sflag:$0x2] =	stream.indirect.gather [hbm4b:s4+s14], $0x40, s31, s14, $0xb8;
	[tilespmem:$0x1C040] =	vst v63  }
0x3d: {  	p0 =	sne.s32 s30, $0x13000;
	_ =	swait.ge [sflag:s17], $0x4000  }
0x3e: {  	[sflag:s17] =	ssyncset.done $0x0  }
0x3f: {  	s30 =	sadd.s32 $0x5000, s29;
	[sflag:s17] =	ssyncadd.s32 $0xFFFFC000  }
0x40: {  	[spmem:s2] =	stream.indirect.scatter.add.f32 [tilespmem:s15], [sflag:$0x3], $0x40, s30, s18, $0xb8;
	[tilespmem:$0x1C040] =	vst v63  }
0x41: {  	_ =	swait.ge [sflag:s12], $0x2000  }
0x42: {  	[sflag:s12] =	ssyncset.done $0x0  }
0x43: {  	s30 =	sadd.s32 $0x5080, s29;
	[sflag:s12] =	ssyncadd.s32 $0xFFFFE000  }
0x44: {  	[spmem:s2] =	stream.indirect.scatter.add.f32 [tilespmem:s19], [sflag:$0x3], $0x40, s30, s18, $0xb8;
	[tilespmem:$0x1C040] =	vst v63  }
0x45: {  	_ =	swait.ge [sflag:s12], $0x2000  }
0x46: {  	[sflag:s12] =	ssyncset.done $0x0  }
0x47: {  	s30 =	sadd.s32 $0x200, s29;
	[sflag:s12] =	ssyncadd.s32 $0xFFFFE000  }
0x48: {  	[tilespmem:s15], [sflag:$0x1] =	stream.indirect.gather [hbm4b:s4+s14], $0x40, s30, s14, $0xb8;
	[tilespmem:$0x1C040] =	vst v63  }
0x49: {  	_ =	swait.ge [sflag:s20], $0x4000  }
0x4a: {  	[sflag:s20] =	ssyncset.done $0x0  }
0x4b: {  	s30 =	sadd.s32 $0x5100, s29;
	[sflag:s20] =	ssyncadd.s32 $0xFFFFC000  }
0x4c: {  	[spmem:s2] =	stream.indirect.scatter.add.f32 [tilespmem:s16], [sflag:$0x3], $0x40, s30, s18, $0xb8;
	[tilespmem:$0x1C040] =	vst v63  }
0x4d: {  	_ =	swait.ge [sflag:s12], $0x2000  }
.Ltmp0:
0x4e: {  	[sflag:s12] =	ssyncset.done $0x0;
	(pc) =	sbr.rel @p0 .LBB2_2-.Ltmp0, $4  }
0x4f: {  	s29 =	sadd.s32 $0x5180, s29;
	[sflag:s12] =	ssyncadd.s32 $0xFFFFE000  }
0x50: {  	[spmem:s2] =	stream.indirect.scatter.add.f32 [tilespmem:s21], [sflag:$0x3], $0x40, s29, s18, $0xb8;
	[tilespmem:$0x1C040] =	vst v63  }
0x51: {  	_ =	swait.ge [sflag:s12], $0x2000  }
0x52: {  	s30 =	smov.u32 s1;
	s29 =	sshra.s32 s0, $0x2;
	[sflag:s12] =	ssyncset.done $0x0  }
0x53: {  	s0 =	sadd.s32 $0x100, s29;
	[sflag:s12] =	ssyncadd.s32 $0xFFFFE000  }
0x54: {  	[tilespmem:s16], [sflag:$0x2] =	stream.indirect.gather [hbm4b:s4+s14], $0x40, s0, s14, $0xb8;
	[tilespmem:$0x1C040] =	vst v63  }
0x55: {  	_ =	swait.ge [sflag:s17], $0x4000  }
0x56: {  	[sflag:s17] =	ssyncset.done $0x0  }
0x57: {  	s30 =	sadd.s32 $0x5000, s29;
	[sflag:s17] =	ssyncadd.s32 $0xFFFFC000  }
0x58: {  	[spmem:s2] =	stream.indirect.scatter.add.f32 [tilespmem:s15], [sflag:$0x3], $0x40, s30, s18, $0xb8;
	[tilespmem:$0x1C040] =	vst v63  }
0x59: {  	_ =	swait.ge [sflag:s12], $0x2000  }
0x5a: {  	[sflag:s12] =	ssyncset.done $0x0  }
0x5b: {  	s31 =	sadd.s32 $0x5080, s29;
	[sflag:s12] =	ssyncadd.s32 $0xFFFFE000  }
0x5c: {  	[spmem:s2] =	stream.indirect.scatter.add.f32 [tilespmem:s19], [sflag:$0x3], $0x40, s31, s18, $0xb8;
	[tilespmem:$0x1C040] =	vst v63  }
0x5d: {  	_ =	swait.ge [sflag:s12], $0x2000  }
0x5e: {  	[sflag:s12] =	ssyncset.done $0x0  }
0x5f: {  	s1 =	sadd.s32 $0x200, s29;
	[sflag:s12] =	ssyncadd.s32 $0xFFFFE000  }
0x60: {  	[tilespmem:s15], [sflag:$0x1] =	stream.indirect.gather [hbm4b:s4+s14], $0x40, s1, s14, $0xb8;
	[tilespmem:$0x1C040] =	vst v63  }
0x61: {  	_ =	swait.ge [sflag:s20], $0x4000  }
0x62: {  	[sflag:s20] =	ssyncset.done $0x0  }
0x63: {  	s30 =	sadd.s32 $0x5100, s29;
	[sflag:s20] =	ssyncadd.s32 $0xFFFFC000  }
0x64: {  	[spmem:s2] =	stream.indirect.scatter.add.f32 [tilespmem:s16], [sflag:$0x3], $0x40, s30, s18, $0xb8;
	[tilespmem:$0x1C040] =	vst v63  }
0x65: {  	_ =	swait.ge [sflag:s12], $0x2000  }
0x66: {  	[sflag:s12] =	ssyncset.done $0x0  }
0x67: {  	s31 =	sadd.s32 $0x5180, s29;
	[sflag:s12] =	ssyncadd.s32 $0xFFFFE000  }
0x68: {  	[spmem:s2] =	stream.indirect.scatter.add.f32 [tilespmem:s21], [sflag:$0x3], $0x40, s31, s18, $0xb8;
	[tilespmem:$0x1C040] =	vst v63  }
0x69: {  	_ =	swait.ge [sflag:s12], $0x2000  }
0x6a: {  	[sflag:s12] =	ssyncset.done $0x0  }
0x6b: {  	[sflag:s12] =	ssyncadd.s32 $0xFFFFE000  }
0x6c: {  	[tilespmem:s16], [sflag:$0x2] =	stream.indirect.gather [hbm4b:s4+s14], $0x40, s22, s14, $0xb8;
	[tilespmem:$0x1C040] =	vst v63  }
0x6d: {  	_ =	swait.ge [sflag:s17], $0x4000  }
0x6e: {  	[sflag:s17] =	ssyncset.done $0x0  }
0x6f: {  	[sflag:s17] =	ssyncadd.s32 $0xFFFFC000  }
0x70: {  	[spmem:s2] =	stream.indirect.scatter.add.f32 [tilespmem:s15], [sflag:$0x3], $0x40, s23, s18, $0xb8;
	[tilespmem:$0x1C040] =	vst v63  }
0x71: {  	_ =	swait.ge [sflag:s12], $0x2000  }
0x72: {  	[sflag:s12] =	ssyncset.done $0x0  }
0x73: {  	[sflag:s12] =	ssyncadd.s32 $0xFFFFE000  }
0x74: {  	[spmem:s2] =	stream.indirect.scatter.add.f32 [tilespmem:s19], [sflag:$0x3], $0x40, s24, s18, $0xb8;
	[tilespmem:$0x1C040] =	vst v63  }
0x75: {  	_ =	swait.ge [sflag:s12], $0x2000  }
0x76: {  	[sflag:s12] =	ssyncset.done $0x0  }
0x77: {  	[sflag:s12] =	ssyncadd.s32 $0xFFFFE000  }
0x78: {  	_ =	swait.ge [sflag:s20], $0x4000  }
0x79: {  	[sflag:s20] =	ssyncset.done $0x0  }
0x7a: {  	[sflag:s20] =	ssyncadd.s32 $0xFFFFC000  }
0x7b: {  	[spmem:s2] =	stream.indirect.scatter.add.f32 [tilespmem:s16], [sflag:$0x3], $0x40, s25, s18, $0xb8;
	[tilespmem:$0x1C040] =	vst v63  }
0x7c: {  	_ =	swait.ge [sflag:s12], $0x2000  }
0x7d: {  	[sflag:s12] =	ssyncset.done $0x0  }
0x7e: {  	[sflag:s12] =	ssyncadd.s32 $0xFFFFE000  }
0x7f: {  	[spmem:s2] =	stream.indirect.scatter.add.f32 [tilespmem:s21], [sflag:$0x3], $0x40, s26, s18, $0xb8;
	[tilespmem:$0x1C040] =	vst v63  }
0x80: {  	_ =	swait.ge [sflag:s12], $0x2000  }
0x81: {  	s28 =	sadd.s32 $0x1, s28;
	[sflag:s12] =	ssyncset.done $0x0  }
0x82: {  	p0 =	sne.s32 s28, s10;
	[sflag:s12] =	ssyncadd.s32 $0xFFFFE000  }
.Ltmp1:
0x83: {  	[bflag:$0x0] =	sbarrier.arrive $0xFFFF;
	(pc) =	sbr.rel @p0 .LBB2_1-.Ltmp1, $4  }
0x84: {  	[hbm:s9], [sflag:s6] =	dma.local [spmem:s11], $0x1400  }
0x85: {  	_ =	swait.ge [sflag:s12], $0x1400  }
0x86: {  	[sflag:s12] =	ssyncset.done $0x0  }
0x87: {  	[sflag:s12] =	ssyncadd.s32 $0xFFFFEC00  }
0x88: {  	_ =	sfence.sel $0x180000  }
0x89: {  	[bflag:$0x0] =	sbarrier.arrive $0xFFFF  }
0x8a: {  	_ =	strace $0x9000004A  }
0x8b: {  	s0 =	stileid.u32;
	[bflag:$0x2] =	sbarrier.arrive $0xFFFF  }
0x8c: {  	p0 =	sne.s32 s0, $0x0;
	s0 =	rddreg [dreg:$0x3]  }
0x8d: {  	s0 =	sadd.s32 @!p0 $0x100000, s0  }
0x8e: {  	[sflag:s0] =	ssyncadd.tile.s32 @!p0 $0x1;
	_ =	shalt  }
.Lfunc_end2:
_tile_overlayer_lowered:
.L_overlay_start_2:
0x8f: {  	(tag) =	ssettag $0x2  }
0x90: {  	s0 =	rddreg [dreg:$0x0];
	s2 =	stileid.u32  }
0x91: {  	s1 =	rddreg [dreg:$0x1];
	p0 =	sne.s32 s2, $0x0  }
0x92: {  	s3 =	rddreg [dreg:$0x2];
	[bflag:$0x3] =	sbarrier.arrive $0xFFFF;
	s2 =	simm.s32 @!p0 $0x1C03  }
0x93: {  	[timem:s3], [sflag:s2] =	dma.local @!p0 [hbm:s0], s1  }
0x94: {  	s0 =	simm.s32 @!p0 $0x3  }
0x95: {  	_ =	swait.ge @!p0 [sflag:s0], s1  }
0x96: {  	s1 =	ssub.s32 @!p0 $0x0, s1;
	[sflag:s0] =	ssyncset.done @!p0 $0x0  }
0x97: {  	[sflag:s0] =	ssyncadd.s32 @!p0 s1  }
0x98: {  	[bflag:$0x3] =	sbarrier.arrive $0xFFFF  }
0x99: {  	_ =	shalt  }

// kernel: kernel.14.cloned.1.call-start
scs
__scs_entry_jumppad:
0x0: {  	(pc) =	sbr.rel $0x88, $3  }
0x1: {  	(tag) =	ssettag $0x0;
	lr =	simm.s32 $0x1  }
0x2: {  	[smem:$0x3F9B] =	sst lr;
	_ =	strace $0xD0000000  }
0x3: {  	_ = 	snop  }
0x4: {  	_ = 	snop  }
0x5: {  	_ = 	snop  }
0x6: {  	_ = 	snop  }
0x7: {  	_ = 	snop  }
__scs_overlays_trampoline_lowered:
0x8: {  	[smem:$0x3FAA] =	sst s0  }
0x9: {  	[smem:$0x3FAB] =	sst s1  }
0xa: {  	[smem:$0x3FAC] =	sst s2  }
0xb: {  	[smem:$0x3FAD] =	sst s3  }
0xc: {  	[smem:$0x3FAE] =	sst s4  }
0xd: {  	[smem:$0x3FAF] =	sst s5  }
0xe: {  	[smem:$0x3FB0] =	sst s6  }
0xf: {  	[smem:$0x3FB1] =	sst s7  }
0x10: {  	[smem:$0x3FB2] =	sst s8  }
0x11: {  	[smem:$0x3FB3] =	sst s9;
	s0 =	simm.s32 @!p0 $0x0  }
0x12: {  	s1 =	sld [smem:$0x3F99];
	s0 =	simm.s32 @p0 $0x1  }
0x13: {  	[smem:$0x3FB4] =	sst s0;
	s0 =	simm.s32 @!p1 $0x0  }
0x14: {  	s2 =	sld [smem:$0x3F98];
	s0 =	simm.s32 @p1 $0x1  }
0x15: {  	[smem:$0x3FB5] =	sst s0;
	s0 =	simm.s32 @!p2 $0x0  }
0x16: {  	s3 =	sld [smem:$0x3FDB];
	s0 =	simm.s32 @p2 $0x1  }
0x17: {  	s4 =	simm.s32 $0x1BF5;
	[smem:$0x3FB7] =	sst s0  }
0x18: {  	s0 =	sld [smem:$0x3F9A];
	_ =	swait.ge [sflag:s4], $0x0  }
0x19: {  	s7 =	sld [smem:$0x3F9B]  }
0x1a: {  	s8 =	sadd.s32 $0xFFFFE003, lr  }
0x1b: {  	s9 =	sadd.s32 $0xFFFFFEF7, lr;
	s5 =	simm.s32 $0xFFFFFFFF;
	p2 =	slt.u32 s8, $0xFFFFF086  }
0x1c: {  	p1 =	slt.u32 s9, $0xF7A;
	s5 =	simm.s32 @!p2 $0x0  }
0x1d: {  	s5 =	simm.s32 @p1 $0x1;
	p0 =	seq.s32 s7, s2  }
0x1e: {  	s7 =	smul.u32 @!p0 $0xF7A, s2;
	p2 =	seq.s32 @!p0 s5, $0x0  }
0x1f: {  	s9 =	smul.u32 $0xF7A, s1;
	s8 =	simm.s32 @!p0 $0x1BF5;
	p2 =	por !p2, p0  }
0x20: {  	[sflag:s8] =	ssyncset.s32 @!p0 $0xFFFFF086;
	s6 =	sadd.s32 @!p0 s3, s7;
	s7 =	simm.s32 @!p0 $0x108  }
0x21: {  	s3 =	sadd.s32 s3, s9;
	s6 =	sadd.s32 @!p0 $0x88, s6;
	s7 =	simm.s32 @p2 $0x1082  }
0x22: {  	[simem:s7], [sflag:s8] =	dma.local @!p0 [hbm:s6], $0xF7A  }
0x23: {  	s9 =	sor.u32 $0xD0000000, s2;
	s6 =	simm.s32 $0x108;
	_ =	swait.ge @!p0 [sflag:s8], $0x0  }
0x24: {  	s3 =	sadd.s32 $0x88, s3;
	s6 =	simm.s32 @!p1 $0x1082;
	[sflag:s4] =	ssyncset.s32 $0xFFFFF086  }
0x25: {  	[simem:s6], [sflag:s4] =	dma.local [hbm:s3], $0xF7A  }
0x26: {  	[smem:$0x3F9B] =	sst s1;
	(tag) =	ssettag s2;
	_ =	strace s9  }
0x27: {  	s1 =	sld [smem:$0x3FAB]  }
0x28: {  	s2 =	sld [smem:$0x3FAC]  }
0x29: {  	s4 =	sld [smem:$0x3FAE]  }
0x2a: {  	p0 =	seq.s32 s5, $0x0;
	s5 =	sld [smem:$0x3FAF]  }
0x2b: {  	s6 =	sld [smem:$0x3FB0]  }
0x2c: {  	s7 =	sld [smem:$0x3FB1]  }
0x2d: {  	s3 =	simm.s32 $0x108;
	s8 =	sld [smem:$0x3FB2]  }
0x2e: {  	s3 =	simm.s32 @!p0 $0x1082;
	s9 =	sld [smem:$0x3FB3]  }
0x2f: {  	lr =	sadd.s32 s0, s3;
	s0 =	sld [smem:$0x3FAA]  }
0x30: {  	s3 =	sld [smem:$0x3FAD]  }
0x31: {  	[smem:$0x3FB6] =	sst s10  }
0x32: {  	s10 =	sld [smem:$0x3FB4];
	_ =	sdelay $0x3  }
0x33: {  	p0 =	seq.s32 s10, $0x1;
	s10 =	sld [smem:$0x3FB6];
	_ =	sdelay $0x3  }
0x34: {  	[smem:$0x3FB6] =	sst s10  }
0x35: {  	s10 =	sld [smem:$0x3FB5];
	_ =	sdelay $0x3  }
0x36: {  	p1 =	seq.s32 s10, $0x1;
	s10 =	sld [smem:$0x3FB6];
	_ =	sdelay $0x3  }
0x37: {  	[smem:$0x3FB6] =	sst s10  }
0x38: {  	s10 =	sld [smem:$0x3FB7]  }
0x39: {  	_ = 	snop;
	(pc) =	sbr.ind lr, $3  }
0x3a: {  	_ = 	snop  }
0x3b: {  	_ = 	snop  }
0x3c: {  	p2 =	seq.s32 s10, $0x1;
	s10 =	sld [smem:$0x3FB6]  }
0x3d: {  	_ =	shalt  }
0x3e: {  	_ =	shalt  }
0x3f: {  	_ =	shalt  }
0x40: {  	_ =	shalt  }
0x41: {  	_ =	shalt  }
0x42: {  	_ =	shalt  }
0x43: {  	_ =	shalt  }
0x44: {  	_ =	shalt  }
0x45: {  	_ =	shalt  }
0x46: {  	_ =	shalt  }
0x47: {  	_ =	shalt  }
0x48: {  	_ =	shalt  }
0x49: {  	_ =	shalt  }
0x4a: {  	_ =	shalt  }
0x4b: {  	_ =	shalt  }
0x4c: {  	_ =	shalt  }
0x4d: {  	_ =	shalt  }
0x4e: {  	_ =	shalt  }
0x4f: {  	_ =	shalt  }
0x50: {  	_ =	shalt  }
0x51: {  	_ =	shalt  }
0x52: {  	_ =	shalt  }
0x53: {  	_ =	shalt  }
0x54: {  	_ =	shalt  }
0x55: {  	_ =	shalt  }
0x56: {  	_ =	shalt  }
0x57: {  	_ =	shalt  }
0x58: {  	_ =	shalt  }
0x59: {  	_ =	shalt  }
0x5a: {  	_ =	shalt  }
0x5b: {  	_ =	shalt  }
0x5c: {  	_ =	shalt  }
0x5d: {  	_ =	shalt  }
0x5e: {  	_ =	shalt  }
0x5f: {  	_ =	shalt  }
0x60: {  	_ =	shalt  }
0x61: {  	_ =	shalt  }
0x62: {  	_ =	shalt  }
0x63: {  	_ =	shalt  }
0x64: {  	_ =	shalt  }
0x65: {  	_ =	shalt  }
0x66: {  	_ =	shalt  }
0x67: {  	_ =	shalt  }
0x68: {  	_ =	shalt  }
0x69: {  	_ =	shalt  }
0x6a: {  	_ =	shalt  }
0x6b: {  	_ =	shalt  }
0x6c: {  	_ =	shalt  }
0x6d: {  	_ =	shalt  }
0x6e: {  	_ =	shalt  }
0x6f: {  	_ =	shalt  }
0x70: {  	_ =	shalt  }
0x71: {  	_ =	shalt  }
0x72: {  	_ =	shalt  }
0x73: {  	_ =	shalt  }
0x74: {  	_ =	shalt  }
0x75: {  	_ =	shalt  }
0x76: {  	_ =	shalt  }
0x77: {  	_ =	shalt  }
0x78: {  	_ =	shalt  }
0x79: {  	_ =	shalt  }
0x7a: {  	_ =	shalt  }
0x7b: {  	_ =	shalt  }
0x7c: {  	_ =	shalt  }
0x7d: {  	_ =	shalt  }
0x7e: {  	_ =	shalt  }
0x7f: {  	_ =	shalt  }
0x80: {  	_ =	shalt  }
0x81: {  	_ =	shalt  }
0x82: {  	_ =	shalt  }
0x83: {  	_ =	shalt  }
0x84: {  	_ =	shalt  }
0x85: {  	_ =	shalt  }
0x86: {  	_ =	shalt  }
0x87: {  	_ =	shalt  }
.Lfunc_end0:
.L_simem_size_0:
called_computation.2_lowered:
.L_overlay_start_0:
0x88: {  	s2 =	sld [smem:$0x3FD9]  }
0x89: {  	s3 =	sld [smem:$0x3FFE];
	_ =	sdelay $0x1  }
0x8a: {  	s1 =	srdreg.scid  }
0x8b: {  	s0 =	sand.u32 $0x1, s1  }
0x8c: {  	s17 =	sshll.u32 s0, $0xA;
	s2 =	sadd.s32 s3, s2  }
0x8d: {  	s2 =	sadd.s32 s2, s17  }
0x8e: {  	[smem:$0x3FC2] =	sst s2  }
0x8f: {  	_ = 	snop  }
0x90: {  	s2 =	sld [smem:$0x3FD0];
	(tm) =	ssettm $0x1  }
0x91: {  	s18 =	sld [smem:$0x3FFB];
	_ =	sdelay $0x3  }
0x92: {  	_ =	strace s18  }
0x93: {  	s3 =	sld [smem:$0x3FFC];
	_ =	sdelay $0x3  }
0x94: {  	_ =	strace s3  }
0x95: {  	s3 =	sld [smem:$0x3FFD];
	_ =	sdelay $0x3  }
0x96: {  	_ =	strace s3  }
0x97: {  	_ =	strace $0x8FFFFFFF  }
0x98: {  	s19 =	sld [smem:$0x3FDB];
	_ =	sdelay $0x1  }
0x99: {  	s4 =	simm.s32 $_scs_section_size  }
0x9a: {  	s5 =	simm.s32 $_size__tile_overlayer_lowered;
	s6 =	simm.s32 $_tile_overlayer_lowered  }
0x9b: {  	s22 =	simm.s32 $0x1BFF;
	s21 =	sshll.u32 s6, $0x1;
	s3 =	sadd.s32 s4, s19  }
0x9c: {  	s7 =	simm.s32 $0x0;
	s20 =	sshll.u32 s5, $0x1;
	s5 =	sadd.s32 s21, s3  }
0x9d: {  	[timem:s7], [sflag:s22] =	dma.local [hbm:s5], s20  }
0x9e: {  	_ =	swait.ge [sflag:s22], s20  }
0x9f: {  	s4 =	ssub.s32 $0x0, s20;
	[sflag:s22] =	ssyncset.done $0x0  }
0xa0: {  	[sflag:s22] =	ssyncadd.s32 s4;
	_ =	sdelay $0x1  }
0xa1: {  	s23 =	simm.s32 $0x1B8B  }
0xa2: {  	_ =	swait.ge [sflag:s23], $0x1  }
0xa3: {  	[sflag:s23] =	ssyncset.done $0x0  }
0xa4: {  	s25 =	simm.s32 $0x1B8E;
	s24 =	sld [smem:$0x3FFE];
	[sflag:s23] =	ssyncadd.s32 $0xFFFFFFFF  }
0xa5: {  	s26 =	simm.s32 $execute0_lowered;
	[smem:$0x3FD2] =	sst s25  }
0xa6: {  	s5 =	sshll.u32 s26, $0x1;
	_ =	strace $0x8000004C;
	[dreg:$0x1] =	wrdreg $0xFFFFFFFF  }
0xa7: {  	s28 =	simm.s32 $_size_execute0_lowered;
	s3 =	sadd.s32 s3, s5;
	[dreg:$0x0] =	wrdreg $0x0  }
0xa8: {  	s5 =	sshll.u32 s28, $0x1;
	[dreg:$0x2] =	wrdreg s3  }
0xa9: {  	[dreg:$0x3] =	wrdreg s5  }
0xaa: {  	[dreg:$0x4] =	wrdreg $0xC0  }
0xab: {  	_ =	task [dreg:s7], $0x5FFFF  }
0xac: {  	[dreg:$0x1] =	wrdreg $0xFFFFFFFF  }
0xad: {  	[dreg:$0x0] =	wrdreg $0x60  }
0xae: {  	[dreg:$0x2] =	wrdreg s24  }
0xaf: {  	[dreg:$0x3] =	wrdreg s2  }
0xb0: {  	[dreg:$0x4] =	wrdreg $0x120000  }
0xb1: {  	[dreg:$0x5] =	wrdreg $0x9  }
0xb2: {  	_ =	task.clear_ibuf [dreg:s7], $0x6FFFF;
	_ =	strace $0x9000004C  }
0xb3: {  	s29 =	simm.s32 $0x9;
	_ =	strace $0x8000004E  }
0xb4: {  	_ =	swait.ge [sflag:s29], $0x1  }
0xb5: {  	[sflag:s29] =	ssyncadd.s32 $0xFFFFFFFF  }
0xb6: {  	_ =	strace $0x9000004E  }
0xb7: {  	_ =	sfence  }
0xb8: {  	s30 =	sld [smem:$0x0];
	_ =	sdelay $0x2  }
0xb9: {  	s31 =	sshll.u32 s1, $0xD;
	s1 =	sshrl.u32 s1, $0x2  }
0xba: {  	s3 =	sand.u32 $0x4000, s31;
	s1 =	sadd.s32 s1, s30  }
0xbb: {  	s0 =	sor.u32 s3, s0;
	s1 =	sshll.u32 s1, $0x11  }
0xbc: {  	s0 =	sor.u32 s1, s0  }
0xbd: {  	s0 =	sadd.s32 $0x8F2B, s0  }
0xbe: {  	[sflag:s0] =	ssyncadd.remote.s32 $0x1  }
0xbf: {  	_ =	sfence.sel $0xFFFF  }
0xc0: {  	[dreg:$0x0] =	wrdreg $0xFFFFFFFF;
	(pc) =	sbr.abs _section_cstart, $3  }
0xc1: {  	[dreg:$0x1] =	wrdreg $0xFFFFFFFF  }
0xc2: {  	_ =	task.clear_ibuf [dreg:s7], $0x2FFFF;
	_ =	strace $0x9FFFFFFF  }
0xc3: {  	(tm) =	ssettm $0x7FFFFFFF  }
tec
execute0_lowered:
.L_overlay_start_1:
0x0: {  	(tag) =	ssettag $0x1  }
0x1: {  	s5 =	rddreg [dreg:$0x0]  }
0x2: {  	s7 =	rddreg [dreg:$0x1]  }
0x3: {  	s2 =	rddreg [dreg:$0x2]  }
0x4: {  	s0 =	stileid.u32;
	s4 =	srdreg.scid;
	s3 =	simm.s32 $0x0  }
0x5: {  	s15 =	simm.s32 $0xA000;
	s16 =	simm.s32 $0xE000;
	s17 =	simm.s32 $0x1  }
0x6: {  	s18 =	simm.s32 $0x80;
	s19 =	simm.s32 $0xC000;
	s20 =	simm.s32 $0x2  }
0x7: {  	s21 =	simm.s32 $0x10000;
	s22 =	simm.s32 $0x4F00;
	s6 =	smul.u32 $0xA00, s0  }
0x8: {  	s23 =	simm.s32 $0x9E00;
	s24 =	simm.s32 $0x9E80;
	s10 =	smul.u32 $0x280, s0  }
0x9: {  	s28 =	simm.s32 $0x0;
	s8 =	sand.u32 $0x1, s4;
	s25 =	smul.u32 $0x28000, s0  }
0xa: {  	[smem:$0x7FF] =	sst s3;
	s4 =	sadd.s32 $0xAE00, s5;
	s13 =	smul.u32 $0x5000, s0  }
0xb: {  	s31 =	sshll.u32 s0, $0x6;
	s9 =	smul.u32 $0x2800, s8;
	_ =	strace $0x8000004D  }
0xc: {  	s26 =	ssub.s32 $0x2, s8;
	s8 =	smul.u32 $0x50000, s8;
	s11 =	sadd.s32 s6, s5  }
0xd: {  	s12 =	sshrl.u32 s26, $0x1;
	s29 =	sshrl.u32 s25, $0x2;
	s6 =	sor.u32 $0x1C03, s31  }
0xe: {  	s25 =	simm.s32 $0x9F00;
	s9 =	sadd.s32 s10, s9;
	s10 =	ssub.s32 s26, s12  }
0xf: {  	s30 =	sadd.s32 s29, s2;
	s8 =	sadd.s32 s13, s8;
	s12 =	simm.s32 $0x3  }
0x10: {  	s13 =	simm.s32 $0x5000;
	s26 =	simm.s32 $0x9F80;
	s9 =	sshll.u32 s9, $0x3  }
0x11: {  	s8 =	sshrl.u32 s8, $0x3;
	s10 =	smax.u32 s10, $0x1;
	s14 =	sadd.s32 s9, s5  }
0x12: {  	s5 =	sadd.s32 s4, s9;
	s7 =	sadd.s32 s7, s8;
	s8 =	sadd.s32 $0xE00, s11  }
0x13: {  	s11 =	sshrl.u32 s30, $0x3;
	s9 =	sadd.s32 $0x32E00, s14;
	s14 =	simm.s32 $0x100  }
.LBB2_1:
0x14: {  	[spmem:s11], [sflag:s6] =	dma.local [hbm:s5], $0x1400  }
0x15: {  	_ =	swait.ge [sflag:s12], $0x1400  }
0x16: {  	[sflag:s12] =	ssyncset.done $0x0  }
0x17: {  	[sflag:s12] =	ssyncadd.s32 $0xFFFFEC00  }
0x18: {  	[bflag:$0x0] =	sbarrier.arrive $0xFFFF  }
0x19: {  	[tilespmem:s3], [sflag:$0x3] =	stream.linear.gather [hbm4b:s7+s3], $0x5000, $0x38;
	[tilespmem:$0x1C040] =	vst v63  }
0x1a: {  	_ =	swait.ge [sflag:s12], $0x5000  }
0x1b: {  	[sflag:s12] =	ssyncset.done $0x0  }
0x1c: {  	[sflag:s12] =	ssyncadd.s32 $0xFFFFB000  }
0x1d: {  	[tilespmem:s13], [sflag:$0x3] =	stream.linear.gather [hbm4b:s8+s3], $0x5000, $0x38;
	[tilespmem:$0x1C040] =	vst v63  }
0x1e: {  	_ =	swait.ge [sflag:s12], $0x5000  }
0x1f: {  	[sflag:s12] =	ssyncset.done $0x0  }
0x20: {  	[sflag:s12] =	ssyncadd.s32 $0xFFFFB000  }
0x21: {  	[tilespmem:s15], [sflag:$0x1] =	stream.indirect.gather [hbm4b:s4+s14], $0x40, s3, s14, $0xb8;
	[tilespmem:$0x1C040] =	vst v63  }
0x22: {  	s29 =	simm.s32 $0x100  }
0x23: {  	[tilespmem:s16], [sflag:$0x2] =	stream.indirect.gather [hbm4b:s4+s14], $0x40, s29, s14, $0xb8;
	[tilespmem:$0x1C040] =	vst v63  }
0x24: {  	_ =	swait.ge [sflag:s17], $0x4000  }
0x25: {  	[sflag:s17] =	ssyncset.done $0x0  }
0x26: {  	s29 =	simm.s32 $0x5000;
	[sflag:s17] =	ssyncadd.s32 $0xFFFFC000  }
0x27: {  	[spmem:s2] =	stream.indirect.scatter.add.f32 [tilespmem:s15], [sflag:$0x3], $0x40, s29, s18, $0xb8;
	[tilespmem:$0x1C040] =	vst v63  }
0x28: {  	_ =	swait.ge [sflag:s12], $0x2000  }
0x29: {  	[sflag:s12] =	ssyncset.done $0x0  }
0x2a: {  	s29 =	simm.s32 $0x5080;
	[sflag:s12] =	ssyncadd.s32 $0xFFFFE000  }
0x2b: {  	[spmem:s2] =	stream.indirect.scatter.add.f32 [tilespmem:s19], [sflag:$0x3], $0x40, s29, s18, $0xb8;
	[tilespmem:$0x1C040] =	vst v63  }
0x2c: {  	_ =	swait.ge [sflag:s12], $0x2000  }
0x2d: {  	[sflag:s12] =	ssyncset.done $0x0  }
0x2e: {  	s29 =	simm.s32 $0x200;
	[sflag:s12] =	ssyncadd.s32 $0xFFFFE000  }
0x2f: {  	[tilespmem:s15], [sflag:$0x1] =	stream.indirect.gather [hbm4b:s4+s14], $0x40, s29, s14, $0xb8;
	[tilespmem:$0x1C040] =	vst v63  }
0x30: {  	_ =	swait.ge [sflag:s20], $0x4000  }
0x31: {  	[sflag:s20] =	ssyncset.done $0x0  }
0x32: {  	s29 =	simm.s32 $0x5100;
	[sflag:s20] =	ssyncadd.s32 $0xFFFFC000  }
0x33: {  	[spmem:s2] =	stream.indirect.scatter.add.f32 [tilespmem:s16], [sflag:$0x3], $0x40, s29, s18, $0xb8;
	[tilespmem:$0x1C040] =	vst v63  }
0x34: {  	_ =	swait.ge [sflag:s12], $0x2000  }
0x35: {  	[sflag:s12] =	ssyncset.done $0x0  }
0x36: {  	s29 =	simm.s32 $0x5180;
	[sflag:s12] =	ssyncadd.s32 $0xFFFFE000  }
0x37: {  	[spmem:s2] =	stream.indirect.scatter.add.f32 [tilespmem:s21], [sflag:$0x3], $0x40, s29, s18, $0xb8;
	[tilespmem:$0x1C040] =	vst v63  }
0x38: {  	_ =	swait.ge [sflag:s12], $0x2000  }
0x39: {  	s30 =	simm.s32 $0x1000;
	s29 =	simm.s32 $0x200;
	[sflag:s12] =	ssyncset.done $0x0  }
.LBB2_2:
0x3a: {  	s31 =	sadd.s32 $0x100, s29  }
0x3b: {  	[sflag:s12] =	ssyncadd.s32 $0xFFFFE000;
	s0 =	smov.u32 s30;
	s1 =	sadd.s32 $0x800, s30  }
0x3c: {  	[tilespmem:s16], [sflag:$0x2] =	stream.indirect.gather [hbm4b:s4+s14], $0x40, s31, s14, $0xb8;
	[tilespmem:$0x1C040] =	vst v63  }
0x3d: {  	p0 =	sne.s32 s30, $0x13000;
	_ =	swait.ge [sflag:s17], $0x4000  }
0x3e: {  	[sflag:s17] =	ssyncset.done $0x0  }
0x3f: {  	s30 =	sadd.s32 $0x5000, s29;
	[sflag:s17] =	ssyncadd.s32 $0xFFFFC000  }
0x40: {  	[spmem:s2] =	stream.indirect.scatter.add.f32 [tilespmem:s15], [sflag:$0x3], $0x40, s30, s18, $0xb8;
	[tilespmem:$0x1C040] =	vst v63  }
0x41: {  	_ =	swait.ge [sflag:s12], $0x2000  }
0x42: {  	[sflag:s12] =	ssyncset.done $0x0  }
0x43: {  	s30 =	sadd.s32 $0x5080, s29;
	[sflag:s12] =	ssyncadd.s32 $0xFFFFE000  }
0x44: {  	[spmem:s2] =	stream.indirect.scatter.add.f32 [tilespmem:s19], [sflag:$0x3], $0x40, s30, s18, $0xb8;
	[tilespmem:$0x1C040] =	vst v63  }
0x45: {  	_ =	swait.ge [sflag:s12], $0x2000  }
0x46: {  	[sflag:s12] =	ssyncset.done $0x0  }
0x47: {  	s30 =	sadd.s32 $0x200, s29;
	[sflag:s12] =	ssyncadd.s32 $0xFFFFE000  }
0x48: {  	[tilespmem:s15], [sflag:$0x1] =	stream.indirect.gather [hbm4b:s4+s14], $0x40, s30, s14, $0xb8;
	[tilespmem:$0x1C040] =	vst v63  }
0x49: {  	_ =	swait.ge [sflag:s20], $0x4000  }
0x4a: {  	[sflag:s20] =	ssyncset.done $0x0  }
0x4b: {  	s30 =	sadd.s32 $0x5100, s29;
	[sflag:s20] =	ssyncadd.s32 $0xFFFFC000  }
0x4c: {  	[spmem:s2] =	stream.indirect.scatter.add.f32 [tilespmem:s16], [sflag:$0x3], $0x40, s30, s18, $0xb8;
	[tilespmem:$0x1C040] =	vst v63  }
0x4d: {  	_ =	swait.ge [sflag:s12], $0x2000  }
.Ltmp0:
0x4e: {  	[sflag:s12] =	ssyncset.done $0x0;
	(pc) =	sbr.rel @p0 .LBB2_2-.Ltmp0, $4  }
0x4f: {  	s29 =	sadd.s32 $0x5180, s29;
	[sflag:s12] =	ssyncadd.s32 $0xFFFFE000  }
0x50: {  	[spmem:s2] =	stream.indirect.scatter.add.f32 [tilespmem:s21], [sflag:$0x3], $0x40, s29, s18, $0xb8;
	[tilespmem:$0x1C040] =	vst v63  }
0x51: {  	_ =	swait.ge [sflag:s12], $0x2000  }
0x52: {  	s30 =	smov.u32 s1;
	s29 =	sshra.s32 s0, $0x2;
	[sflag:s12] =	ssyncset.done $0x0  }
0x53: {  	s0 =	sadd.s32 $0x100, s29;
	[sflag:s12] =	ssyncadd.s32 $0xFFFFE000  }
0x54: {  	[tilespmem:s16], [sflag:$0x2] =	stream.indirect.gather [hbm4b:s4+s14], $0x40, s0, s14, $0xb8;
	[tilespmem:$0x1C040] =	vst v63  }
0x55: {  	_ =	swait.ge [sflag:s17], $0x4000  }
0x56: {  	[sflag:s17] =	ssyncset.done $0x0  }
0x57: {  	s30 =	sadd.s32 $0x5000, s29;
	[sflag:s17] =	ssyncadd.s32 $0xFFFFC000  }
0x58: {  	[spmem:s2] =	stream.indirect.scatter.add.f32 [tilespmem:s15], [sflag:$0x3], $0x40, s30, s18, $0xb8;
	[tilespmem:$0x1C040] =	vst v63  }
0x59: {  	_ =	swait.ge [sflag:s12], $0x2000  }
0x5a: {  	[sflag:s12] =	ssyncset.done $0x0  }
0x5b: {  	s31 =	sadd.s32 $0x5080, s29;
	[sflag:s12] =	ssyncadd.s32 $0xFFFFE000  }
0x5c: {  	[spmem:s2] =	stream.indirect.scatter.add.f32 [tilespmem:s19], [sflag:$0x3], $0x40, s31, s18, $0xb8;
	[tilespmem:$0x1C040] =	vst v63  }
0x5d: {  	_ =	swait.ge [sflag:s12], $0x2000  }
0x5e: {  	[sflag:s12] =	ssyncset.done $0x0  }
0x5f: {  	s1 =	sadd.s32 $0x200, s29;
	[sflag:s12] =	ssyncadd.s32 $0xFFFFE000  }
0x60: {  	[tilespmem:s15], [sflag:$0x1] =	stream.indirect.gather [hbm4b:s4+s14], $0x40, s1, s14, $0xb8;
	[tilespmem:$0x1C040] =	vst v63  }
0x61: {  	_ =	swait.ge [sflag:s20], $0x4000  }
0x62: {  	[sflag:s20] =	ssyncset.done $0x0  }
0x63: {  	s30 =	sadd.s32 $0x5100, s29;
	[sflag:s20] =	ssyncadd.s32 $0xFFFFC000  }
0x64: {  	[spmem:s2] =	stream.indirect.scatter.add.f32 [tilespmem:s16], [sflag:$0x3], $0x40, s30, s18, $0xb8;
	[tilespmem:$0x1C040] =	vst v63  }
0x65: {  	_ =	swait.ge [sflag:s12], $0x2000  }
0x66: {  	[sflag:s12] =	ssyncset.done $0x0  }
0x67: {  	s31 =	sadd.s32 $0x5180, s29;
	[sflag:s12] =	ssyncadd.s32 $0xFFFFE000  }
0x68: {  	[spmem:s2] =	stream.indirect.scatter.add.f32 [tilespmem:s21], [sflag:$0x3], $0x40, s31, s18, $0xb8;
	[tilespmem:$0x1C040] =	vst v63  }
0x69: {  	_ =	swait.ge [sflag:s12], $0x2000  }
0x6a: {  	[sflag:s12] =	ssyncset.done $0x0  }
0x6b: {  	[sflag:s12] =	ssyncadd.s32 $0xFFFFE000  }
0x6c: {  	[tilespmem:s16], [sflag:$0x2] =	stream.indirect.gather [hbm4b:s4+s14], $0x40, s22, s14, $0xb8;
	[tilespmem:$0x1C040] =	vst v63  }
0x6d: {  	_ =	swait.ge [sflag:s17], $0x4000  }
0x6e: {  	[sflag:s17] =	ssyncset.done $0x0  }
0x6f: {  	[sflag:s17] =	ssyncadd.s32 $0xFFFFC000  }
0x70: {  	[spmem:s2] =	stream.indirect.scatter.add.f32 [tilespmem:s15], [sflag:$0x3], $0x40, s23, s18, $0xb8;
	[tilespmem:$0x1C040] =	vst v63  }
0x71: {  	_ =	swait.ge [sflag:s12], $0x2000  }
0x72: {  	[sflag:s12] =	ssyncset.done $0x0  }
0x73: {  	[sflag:s12] =	ssyncadd.s32 $0xFFFFE000  }
0x74: {  	[spmem:s2] =	stream.indirect.scatter.add.f32 [tilespmem:s19], [sflag:$0x3], $0x40, s24, s18, $0xb8;
	[tilespmem:$0x1C040] =	vst v63  }
0x75: {  	_ =	swait.ge [sflag:s12], $0x2000  }
0x76: {  	[sflag:s12] =	ssyncset.done $0x0  }
0x77: {  	[sflag:s12] =	ssyncadd.s32 $0xFFFFE000  }
0x78: {  	_ =	swait.ge [sflag:s20], $0x4000  }
0x79: {  	[sflag:s20] =	ssyncset.done $0x0  }
0x7a: {  	[sflag:s20] =	ssyncadd.s32 $0xFFFFC000  }
0x7b: {  	[spmem:s2] =	stream.indirect.scatter.add.f32 [tilespmem:s16], [sflag:$0x3], $0x40, s25, s18, $0xb8;
	[tilespmem:$0x1C040] =	vst v63  }
0x7c: {  	_ =	swait.ge [sflag:s12], $0x2000  }
0x7d: {  	[sflag:s12] =	ssyncset.done $0x0  }
0x7e: {  	[sflag:s12] =	ssyncadd.s32 $0xFFFFE000  }
0x7f: {  	[spmem:s2] =	stream.indirect.scatter.add.f32 [tilespmem:s21], [sflag:$0x3], $0x40, s26, s18, $0xb8;
	[tilespmem:$0x1C040] =	vst v63  }
0x80: {  	_ =	swait.ge [sflag:s12], $0x2000  }
0x81: {  	s28 =	sadd.s32 $0x1, s28;
	[sflag:s12] =	ssyncset.done $0x0  }
0x82: {  	p0 =	sne.s32 s28, s10;
	[sflag:s12] =	ssyncadd.s32 $0xFFFFE000  }
.Ltmp1:
0x83: {  	[bflag:$0x0] =	sbarrier.arrive $0xFFFF;
	(pc) =	sbr.rel @p0 .LBB2_1-.Ltmp1, $4  }
0x84: {  	[hbm:s9], [sflag:s6] =	dma.local [spmem:s11], $0x1400  }
0x85: {  	_ =	swait.ge [sflag:s12], $0x1400  }
0x86: {  	[sflag:s12] =	ssyncset.done $0x0  }
0x87: {  	[sflag:s12] =	ssyncadd.s32 $0xFFFFEC00  }
0x88: {  	_ =	sfence.sel $0x180000  }
0x89: {  	[bflag:$0x0] =	sbarrier.arrive $0xFFFF  }
0x8a: {  	_ =	strace $0x9000004D  }
0x8b: {  	s0 =	stileid.u32;
	[bflag:$0x2] =	sbarrier.arrive $0xFFFF  }
0x8c: {  	p0 =	sne.s32 s0, $0x0;
	s0 =	rddreg [dreg:$0x3]  }
0x8d: {  	s0 =	sadd.s32 @!p0 $0x100000, s0  }
0x8e: {  	[sflag:s0] =	ssyncadd.tile.s32 @!p0 $0x1;
	_ =	shalt  }
.Lfunc_end2:
_tile_overlayer_lowered:
.L_overlay_start_2:
0x8f: {  	(tag) =	ssettag $0x2  }
0x90: {  	s0 =	rddreg [dreg:$0x0];
	s2 =	stileid.u32  }
0x91: {  	s1 =	rddreg [dreg:$0x1];
	p0 =	sne.s32 s2, $0x0  }
0x92: {  	s3 =	rddreg [dreg:$0x2];
	[bflag:$0x3] =	sbarrier.arrive $0xFFFF;
	s2 =	simm.s32 @!p0 $0x1C03  }
0x93: {  	[timem:s3], [sflag:s2] =	dma.local @!p0 [hbm:s0], s1  }
0x94: {  	s0 =	simm.s32 @!p0 $0x3  }
0x95: {  	_ =	swait.ge @!p0 [sflag:s0], s1  }
0x96: {  	s1 =	ssub.s32 @!p0 $0x0, s1;
	[sflag:s0] =	ssyncset.done @!p0 $0x0  }
0x97: {  	[sflag:s0] =	ssyncadd.s32 @!p0 s1  }
0x98: {  	[bflag:$0x3] =	sbarrier.arrive $0xFFFF  }
0x99: {  	_ =	shalt  }

// kernel: kernel.8.cloned.1.call-start
scs
__scs_entry_jumppad:
0x0: {  	(pc) =	sbr.rel $0x88, $3  }
0x1: {  	(tag) =	ssettag $0x0;
	lr =	simm.s32 $0x1  }
0x2: {  	[smem:$0x3F9B] =	sst lr;
	_ =	strace $0xD0000000  }
0x3: {  	_ = 	snop  }
0x4: {  	_ = 	snop  }
0x5: {  	_ = 	snop  }
0x6: {  	_ = 	snop  }
0x7: {  	_ = 	snop  }
__scs_overlays_trampoline_lowered:
0x8: {  	[smem:$0x3FAA] =	sst s0  }
0x9: {  	[smem:$0x3FAB] =	sst s1  }
0xa: {  	[smem:$0x3FAC] =	sst s2  }
0xb: {  	[smem:$0x3FAD] =	sst s3  }
0xc: {  	[smem:$0x3FAE] =	sst s4  }
0xd: {  	[smem:$0x3FAF] =	sst s5  }
0xe: {  	[smem:$0x3FB0] =	sst s6  }
0xf: {  	[smem:$0x3FB1] =	sst s7  }
0x10: {  	[smem:$0x3FB2] =	sst s8  }
0x11: {  	[smem:$0x3FB3] =	sst s9;
	s0 =	simm.s32 @!p0 $0x0  }
0x12: {  	s1 =	sld [smem:$0x3F99];
	s0 =	simm.s32 @p0 $0x1  }
0x13: {  	[smem:$0x3FB4] =	sst s0;
	s0 =	simm.s32 @!p1 $0x0  }
0x14: {  	s2 =	sld [smem:$0x3F98];
	s0 =	simm.s32 @p1 $0x1  }
0x15: {  	[smem:$0x3FB5] =	sst s0;
	s0 =	simm.s32 @!p2 $0x0  }
0x16: {  	s3 =	sld [smem:$0x3FDB];
	s0 =	simm.s32 @p2 $0x1  }
0x17: {  	s4 =	simm.s32 $0x1BF5;
	[smem:$0x3FB7] =	sst s0  }
0x18: {  	s0 =	sld [smem:$0x3F9A];
	_ =	swait.ge [sflag:s4], $0x0  }
0x19: {  	s7 =	sld [smem:$0x3F9B]  }
0x1a: {  	s8 =	sadd.s32 $0xFFFFE003, lr  }
0x1b: {  	s9 =	sadd.s32 $0xFFFFFEF7, lr;
	s5 =	simm.s32 $0xFFFFFFFF;
	p2 =	slt.u32 s8, $0xFFFFF086  }
0x1c: {  	p1 =	slt.u32 s9, $0xF7A;
	s5 =	simm.s32 @!p2 $0x0  }
0x1d: {  	s5 =	simm.s32 @p1 $0x1;
	p0 =	seq.s32 s7, s2  }
0x1e: {  	s7 =	smul.u32 @!p0 $0xF7A, s2;
	p2 =	seq.s32 @!p0 s5, $0x0  }
0x1f: {  	s9 =	smul.u32 $0xF7A, s1;
	s8 =	simm.s32 @!p0 $0x1BF5;
	p2 =	por !p2, p0  }
0x20: {  	[sflag:s8] =	ssyncset.s32 @!p0 $0xFFFFF086;
	s6 =	sadd.s32 @!p0 s3, s7;
	s7 =	simm.s32 @!p0 $0x108  }
0x21: {  	s3 =	sadd.s32 s3, s9;
	s6 =	sadd.s32 @!p0 $0x88, s6;
	s7 =	simm.s32 @p2 $0x1082  }
0x22: {  	[simem:s7], [sflag:s8] =	dma.local @!p0 [hbm:s6], $0xF7A  }
0x23: {  	s9 =	sor.u32 $0xD0000000, s2;
	s6 =	simm.s32 $0x108;
	_ =	swait.ge @!p0 [sflag:s8], $0x0  }
0x24: {  	s3 =	sadd.s32 $0x88, s3;
	s6 =	simm.s32 @!p1 $0x1082;
	[sflag:s4] =	ssyncset.s32 $0xFFFFF086  }
0x25: {  	[simem:s6], [sflag:s4] =	dma.local [hbm:s3], $0xF7A  }
0x26: {  	[smem:$0x3F9B] =	sst s1;
	(tag) =	ssettag s2;
	_ =	strace s9  }
0x27: {  	s1 =	sld [smem:$0x3FAB]  }
0x28: {  	s2 =	sld [smem:$0x3FAC]  }
0x29: {  	s4 =	sld [smem:$0x3FAE]  }
0x2a: {  	p0 =	seq.s32 s5, $0x0;
	s5 =	sld [smem:$0x3FAF]  }
0x2b: {  	s6 =	sld [smem:$0x3FB0]  }
0x2c: {  	s7 =	sld [smem:$0x3FB1]  }
0x2d: {  	s3 =	simm.s32 $0x108;
	s8 =	sld [smem:$0x3FB2]  }
0x2e: {  	s3 =	simm.s32 @!p0 $0x1082;
	s9 =	sld [smem:$0x3FB3]  }
0x2f: {  	lr =	sadd.s32 s0, s3;
	s0 =	sld [smem:$0x3FAA]  }
0x30: {  	s3 =	sld [smem:$0x3FAD]  }
0x31: {  	[smem:$0x3FB6] =	sst s10  }
0x32: {  	s10 =	sld [smem:$0x3FB4];
	_ =	sdelay $0x3  }
0x33: {  	p0 =	seq.s32 s10, $0x1;
	s10 =	sld [smem:$0x3FB6];
	_ =	sdelay $0x3  }
0x34: {  	[smem:$0x3FB6] =	sst s10  }
0x35: {  	s10 =	sld [smem:$0x3FB5];
	_ =	sdelay $0x3  }
0x36: {  	p1 =	seq.s32 s10, $0x1;
	s10 =	sld [smem:$0x3FB6];
	_ =	sdelay $0x3  }
0x37: {  	[smem:$0x3FB6] =	sst s10  }
0x38: {  	s10 =	sld [smem:$0x3FB7]  }
0x39: {  	_ = 	snop;
	(pc) =	sbr.ind lr, $3  }
0x3a: {  	_ = 	snop  }
0x3b: {  	_ = 	snop  }
0x3c: {  	p2 =	seq.s32 s10, $0x1;
	s10 =	sld [smem:$0x3FB6]  }
0x3d: {  	_ =	shalt  }
0x3e: {  	_ =	shalt  }
0x3f: {  	_ =	shalt  }
0x40: {  	_ =	shalt  }
0x41: {  	_ =	shalt  }
0x42: {  	_ =	shalt  }
0x43: {  	_ =	shalt  }
0x44: {  	_ =	shalt  }
0x45: {  	_ =	shalt  }
0x46: {  	_ =	shalt  }
0x47: {  	_ =	shalt  }
0x48: {  	_ =	shalt  }
0x49: {  	_ =	shalt  }
0x4a: {  	_ =	shalt  }
0x4b: {  	_ =	shalt  }
0x4c: {  	_ =	shalt  }
0x4d: {  	_ =	shalt  }
0x4e: {  	_ =	shalt  }
0x4f: {  	_ =	shalt  }
0x50: {  	_ =	shalt  }
0x51: {  	_ =	shalt  }
0x52: {  	_ =	shalt  }
0x53: {  	_ =	shalt  }
0x54: {  	_ =	shalt  }
0x55: {  	_ =	shalt  }
0x56: {  	_ =	shalt  }
0x57: {  	_ =	shalt  }
0x58: {  	_ =	shalt  }
0x59: {  	_ =	shalt  }
0x5a: {  	_ =	shalt  }
0x5b: {  	_ =	shalt  }
0x5c: {  	_ =	shalt  }
0x5d: {  	_ =	shalt  }
0x5e: {  	_ =	shalt  }
0x5f: {  	_ =	shalt  }
0x60: {  	_ =	shalt  }
0x61: {  	_ =	shalt  }
0x62: {  	_ =	shalt  }
0x63: {  	_ =	shalt  }
0x64: {  	_ =	shalt  }
0x65: {  	_ =	shalt  }
0x66: {  	_ =	shalt  }
0x67: {  	_ =	shalt  }
0x68: {  	_ =	shalt  }
0x69: {  	_ =	shalt  }
0x6a: {  	_ =	shalt  }
0x6b: {  	_ =	shalt  }
0x6c: {  	_ =	shalt  }
0x6d: {  	_ =	shalt  }
0x6e: {  	_ =	shalt  }
0x6f: {  	_ =	shalt  }
0x70: {  	_ =	shalt  }
0x71: {  	_ =	shalt  }
0x72: {  	_ =	shalt  }
0x73: {  	_ =	shalt  }
0x74: {  	_ =	shalt  }
0x75: {  	_ =	shalt  }
0x76: {  	_ =	shalt  }
0x77: {  	_ =	shalt  }
0x78: {  	_ =	shalt  }
0x79: {  	_ =	shalt  }
0x7a: {  	_ =	shalt  }
0x7b: {  	_ =	shalt  }
0x7c: {  	_ =	shalt  }
0x7d: {  	_ =	shalt  }
0x7e: {  	_ =	shalt  }
0x7f: {  	_ =	shalt  }
0x80: {  	_ =	shalt  }
0x81: {  	_ =	shalt  }
0x82: {  	_ =	shalt  }
0x83: {  	_ =	shalt  }
0x84: {  	_ =	shalt  }
0x85: {  	_ =	shalt  }
0x86: {  	_ =	shalt  }
0x87: {  	_ =	shalt  }
.Lfunc_end0:
.L_simem_size_0:
called_computation_lowered:
.L_overlay_start_0:
0x88: {  	s2 =	sld [smem:$0x3FD9]  }
0x89: {  	s3 =	sld [smem:$0x3FFE];
	_ =	sdelay $0x1  }
0x8a: {  	s1 =	srdreg.scid  }
0x8b: {  	s0 =	sand.u32 $0x1, s1  }
0x8c: {  	s16 =	sshll.u32 s0, $0xA;
	s2 =	sadd.s32 s3, s2  }
0x8d: {  	s2 =	sadd.s32 s2, s16  }
0x8e: {  	[smem:$0x3FC2] =	sst s2  }
0x8f: {  	_ = 	snop  }
0x90: {  	(tm) =	ssettm $0x1  }
0x91: {  	s17 =	sld [smem:$0x3FFB];
	_ =	sdelay $0x3  }
0x92: {  	_ =	strace s17  }
0x93: {  	s2 =	sld [smem:$0x3FFC];
	_ =	sdelay $0x3  }
0x94: {  	_ =	strace s2  }
0x95: {  	s2 =	sld [smem:$0x3FFD];
	_ =	sdelay $0x3  }
0x96: {  	_ =	strace s2  }
0x97: {  	_ =	strace $0x8FFFFFFF  }
0x98: {  	s18 =	sld [smem:$0x3FDB];
	_ =	sdelay $0x1  }
0x99: {  	s19 =	simm.s32 $_scs_section_size  }
0x9a: {  	s4 =	simm.s32 $_size__tile_overlayer_lowered;
	s5 =	simm.s32 $_tile_overlayer_lowered  }
0x9b: {  	s22 =	simm.s32 $0x1BFF;
	s21 =	sshll.u32 s5, $0x1;
	s2 =	sadd.s32 s19, s18  }
0x9c: {  	s6 =	simm.s32 $0x0;
	s20 =	sshll.u32 s4, $0x1;
	s4 =	sadd.s32 s21, s2  }
0x9d: {  	[timem:s6], [sflag:s22] =	dma.local [hbm:s4], s20  }
0x9e: {  	_ =	swait.ge [sflag:s22], s20  }
0x9f: {  	s3 =	ssub.s32 $0x0, s20;
	[sflag:s22] =	ssyncset.done $0x0  }
0xa0: {  	[sflag:s22] =	ssyncadd.s32 s3;
	_ =	sdelay $0x1  }
0xa1: {  	s23 =	simm.s32 $0x1B8B  }
0xa2: {  	_ =	swait.ge [sflag:s23], $0x1  }
0xa3: {  	[sflag:s23] =	ssyncset.done $0x0  }
0xa4: {  	s25 =	simm.s32 $0x1B8E;
	s24 =	sld [smem:$0x3FFE];
	[sflag:s23] =	ssyncadd.s32 $0xFFFFFFFF  }
0xa5: {  	s26 =	simm.s32 $execute0_lowered;
	[smem:$0x3FD2] =	sst s25  }
0xa6: {  	s4 =	sshll.u32 s26, $0x1;
	_ =	strace $0x80000046;
	[dreg:$0x1] =	wrdreg $0xFFFFFFFF  }
0xa7: {  	s28 =	simm.s32 $_size_execute0_lowered;
	s2 =	sadd.s32 s2, s4;
	[dreg:$0x0] =	wrdreg $0x0  }
0xa8: {  	s4 =	sshll.u32 s28, $0x1;
	[dreg:$0x2] =	wrdreg s2  }
0xa9: {  	[dreg:$0x3] =	wrdreg s4  }
0xaa: {  	[dreg:$0x4] =	wrdreg $0xC0  }
0xab: {  	_ =	task [dreg:s6], $0x5FFFF  }
0xac: {  	[dreg:$0x1] =	wrdreg $0xFFFFFFFF  }
0xad: {  	[dreg:$0x0] =	wrdreg $0x60  }
0xae: {  	[dreg:$0x2] =	wrdreg s24  }
0xaf: {  	[dreg:$0x3] =	wrdreg $0x30000  }
0xb0: {  	[dreg:$0x4] =	wrdreg $0x9  }
0xb1: {  	_ =	task.clear_ibuf [dreg:s6], $0x5FFFF;
	_ =	strace $0x90000046  }
0xb2: {  	s29 =	simm.s32 $0x9;
	_ =	strace $0x80000048  }
0xb3: {  	_ =	swait.ge [sflag:s29], $0x1  }
0xb4: {  	[sflag:s29] =	ssyncadd.s32 $0xFFFFFFFF  }
0xb5: {  	_ =	strace $0x90000048  }
0xb6: {  	_ =	sfence  }
0xb7: {  	s30 =	sld [smem:$0x0];
	_ =	sdelay $0x2  }
0xb8: {  	s31 =	sshll.u32 s1, $0xD;
	s1 =	sshrl.u32 s1, $0x2  }
0xb9: {  	s3 =	sand.u32 $0x4000, s31;
	s1 =	sadd.s32 s1, s30  }
0xba: {  	s0 =	sor.u32 s3, s0;
	s1 =	sshll.u32 s1, $0x11  }
0xbb: {  	s0 =	sor.u32 s1, s0  }
0xbc: {  	s0 =	sadd.s32 $0x8F2B, s0  }
0xbd: {  	[sflag:s0] =	ssyncadd.remote.s32 $0x1  }
0xbe: {  	_ =	sfence.sel $0xFFFF  }
0xbf: {  	[dreg:$0x0] =	wrdreg $0xFFFFFFFF;
	(pc) =	sbr.abs _section_cstart, $3  }
0xc0: {  	[dreg:$0x1] =	wrdreg $0xFFFFFFFF  }
0xc1: {  	_ =	task.clear_ibuf [dreg:s6], $0x2FFFF;
	_ =	strace $0x9FFFFFFF  }
0xc2: {  	(tm) =	ssettm $0x7FFFFFFF  }
0xc3: {  	_ =	shalt  }
tec
execute0_lowered:
.L_overlay_start_1:
0x0: {  	(tag) =	ssettag $0x1  }
0x1: {  	s6 =	rddreg [dreg:$0x0]  }
0x2: {  	s2 =	rddreg [dreg:$0x1]  }
0x3: {  	s0 =	rddreg [dreg:$0x2];
	s4 =	srdreg.scid  }
0x4: {  	s1 =	stileid.u32;
	s3 =	simm.s32 $0x0;
	s13 =	simm.s32 $0x80  }
0x5: {  	s14 =	simm.s32 $0x0;
	s7 =	sand.u32 $0x1, s4;
	s8 =	smul.u32 $0x500, s1  }
0x6: {  	[smem:$0x7FF] =	sst s3;
	s4 =	sadd.s32 $0xAE00, s6;
	s10 =	smul.u32 $0xA000, s1  }
0x7: {  	s5 =	sadd.s32 $0xB000, s6;
	s11 =	sshll.u32 s1, $0x6;
	s9 =	smul.u32 $0x5000, s7  }
0x8: {  	_ =	strace $0x80000047;
	s7 =	ssub.s32 $0x2, s7;
	s11 =	sor.u32 $0x1C01, s11  }
0x9: {  	s29 =	sshrl.u32 s7, $0x1;
	s30 =	sshrl.u32 s10, $0x2;
	s10 =	simm.s32 $0x1  }
0xa: {  	s8 =	sadd.s32 s8, s9;
	s31 =	ssub.s32 s7, s29;
	s12 =	sadd.s32 s30, s2  }
0xb: {  	s9 =	simm.s32 $0x2800;
	s8 =	sadd.s32 s8, s6;
	s12 =	sshrl.u32 s12, $0x3  }
0xc: {  	s6 =	sadd.s32 $0xE00, s8;
	s7 =	sadd.s32 $0xB600, s8;
	s8 =	smax.u32 s31, $0x1  }
.LBB2_1:
0xd: {  	[tilespmem:s9], [sflag:$0x1] =	stream.linear.gather [hbm4b:s4+s3], $0x800, $0x38;
	[tilespmem:$0x5810] =	vst v63  }
0xe: {  	_ =	swait.ge [sflag:s10], $0x800  }
0xf: {  	[sflag:s10] =	ssyncset.done $0x0  }
0x10: {  	[sflag:s10] =	ssyncadd.s32 $0xFFFFF800  }
0x11: {  	[spmem:s12], [sflag:s11] =	dma.local [hbm:s5], $0x500  }
0x12: {  	_ =	swait.ge [sflag:s10], $0x500  }
0x13: {  	[sflag:s10] =	ssyncset.done $0x0  }
0x14: {  	[sflag:s10] =	ssyncadd.s32 $0xFFFFFB00  }
0x15: {  	[tilespmem:s3], [sflag:$0x1] =	stream.linear.gather [hbm4b:s6+s3], $0x2800, $0x38;
	[tilespmem:$0x5810] =	vst v63  }
0x16: {  	_ =	swait.ge [sflag:s10], $0x2800  }
0x17: {  	[sflag:s10] =	ssyncset.done $0x0  }
0x18: {  	[sflag:s10] =	ssyncadd.s32 $0xFFFFD800  }
0x19: {  	s15 =	simm.s32 $0x0;
	[bflag:$0x0] =	sbarrier.arrive $0xFFFF  }
0x1a: {  	[spmem:s2] =	stream.indirect.scatter.add.f32 [tilespmem:s9], [sflag:$0x1], $0x10, s15, s13, $0xb8;
	[tilespmem:$0x5810] =	vst v63  }
0x1b: {  	_ =	swait.ge [sflag:s10], $0x800  }
0x1c: {  	s15 =	simm.s32 $0x200;
	[sflag:s10] =	ssyncset.done $0x0  }
.LBB2_2:
0x1d: {  	s16 =	sshra.s32 s15, $0x2;
	[sflag:s10] =	ssyncadd.s32 $0xFFFFF800;
	p0 =	sne.s32 s15, $0x9E00  }
0x1e: {  	[spmem:s2] =	stream.indirect.scatter.add.f32 [tilespmem:s9], [sflag:$0x1], $0x10, s16, s13, $0xb8;
	[tilespmem:$0x5810] =	vst v63  }
.Ltmp0:
0x1f: {  	_ = 	snop;
	(pc) =	sbr.rel @p0 .LBB2_2-.Ltmp0, $4  }
0x20: {  	_ = 	snop  }
0x21: {  	s15 =	sadd.s32 $0x200, s15  }
0x22: {  	_ =	swait.ge [sflag:s10], $0x800  }
0x23: {  	[sflag:s10] =	ssyncset.done $0x0  }
0x24: {  	s14 =	sadd.s32 $0x1, s14  }
0x25: {  	[sflag:s10] =	ssyncadd.s32 $0xFFFFF800;
	p0 =	sne.s32 s14, s8  }
.Ltmp1:
0x26: {  	[bflag:$0x0] =	sbarrier.arrive $0xFFFF;
	(pc) =	sbr.rel @p0 .LBB2_1-.Ltmp1, $4  }
0x27: {  	[hbm:s7], [sflag:s11] =	dma.local [spmem:s12], $0x500  }
0x28: {  	_ =	swait.ge [sflag:s10], $0x500  }
0x29: {  	[sflag:s10] =	ssyncset.done $0x0  }
0x2a: {  	[sflag:s10] =	ssyncadd.s32 $0xFFFFFB00  }
0x2b: {  	_ =	sfence.sel $0x180000  }
0x2c: {  	[bflag:$0x0] =	sbarrier.arrive $0xFFFF  }
0x2d: {  	p0 =	sne.s32 s1, $0x0;
	_ =	strace $0x90000047  }
0x2e: {  	s0 =	sadd.s32 @!p0 $0x100000, s0;
	[bflag:$0x2] =	sbarrier.arrive $0xFFFF  }
0x2f: {  	[sflag:s0] =	ssyncadd.tile.s32 @!p0 $0x1;
	_ =	shalt  }
.Lfunc_end2:
_tile_overlayer_lowered:
.L_overlay_start_2:
0x30: {  	(tag) =	ssettag $0x2  }
0x31: {  	s0 =	rddreg [dreg:$0x0];
	s2 =	stileid.u32  }
0x32: {  	s1 =	rddreg [dreg:$0x1];
	p0 =	sne.s32 s2, $0x0  }
0x33: {  	s3 =	rddreg [dreg:$0x2];
	[bflag:$0x3] =	sbarrier.arrive $0xFFFF;
	s2 =	simm.s32 @!p0 $0x1C01  }
0x34: {  	[timem:s3], [sflag:s2] =	dma.local @!p0 [hbm:s0], s1  }
0x35: {  	s0 =	simm.s32 @!p0 $0x1  }
0x36: {  	_ =	swait.ge @!p0 [sflag:s0], s1  }
0x37: {  	s1 =	ssub.s32 @!p0 $0x0, s1;
	[sflag:s0] =	ssyncset.done @!p0 $0x0  }
0x38: {  	[sflag:s0] =	ssyncadd.s32 @!p0 s1  }
0x39: {  	[bflag:$0x3] =	sbarrier.arrive $0xFFFF  }
0x3a: {  	_ =	shalt  }

</sc_bundles>
